<compile_context>
chip_gen: v7x
topology: tpu7x:2x2x1
jax: 0.10.2.dev20260603
libtpu: 0.0.44.dev20260713+nightly
codegen_flags: <defaults>
</compile_context>

<pallas_src>
import functools
import jax
import jax.numpy as jnp
from jax import lax
from jax.experimental import pallas as pl
from jax.experimental.pallas import tpu as pltpu
from jax.experimental.pallas import tpu_sc as plsc

N_NODES = 10000
N_EDGES = 320000
D = 128

NC = 2
NS = 16
NW = NC * NS

CHUNK = 128
EDGES_PER_TILE = 10240
N_CHUNKS = EDGES_PER_TILE // CHUNK
N_HALVES = 2
HALF_CHUNKS = N_CHUNKS // N_HALVES
E_PAD = EDGES_PER_TILE * NW
ACC_ROWS = 10112
ROWS_PER_TILE = ACC_ROWS // NS


def _sc_body(x_hbm, src_hbm, dst_hbm, z_hbm, out_hbm,
             src_v, dst_v, rows_a, rows_b, acc,
             gsem_a, gsem_b, ssem_a, ssem_b, zsem):
    c = lax.axis_index("c")
    s = lax.axis_index("s")
    wid = s * NC + c
    rs = pl.ds(s * ROWS_PER_TILE, ROWS_PER_TILE)

    pltpu.async_copy(z_hbm, acc.at[rs], zsem)
    pltpu.sync_copy(src_hbm.at[wid, 0], src_v)
    pltpu.sync_copy(dst_hbm.at[wid, 0], dst_v)
    pltpu.make_async_copy(z_hbm, acc.at[rs], zsem).wait()
    plsc.subcore_barrier()

    for h in range(N_HALVES):
        if h > 0:
            pltpu.sync_copy(src_hbm.at[wid, h], src_v)
            pltpu.sync_copy(dst_hbm.at[wid, h], dst_v)
        pltpu.async_copy(x_hbm.at[src_v.at[0]], rows_a, gsem_a)
        pltpu.async_copy(x_hbm.at[src_v.at[1]], rows_b, gsem_b)

        def body(i, carry):
            ja = 2 * i
            jb = 2 * i + 1
            pltpu.make_async_copy(x_hbm.at[src_v.at[ja]], rows_a, gsem_a).wait()
            pltpu.async_copy(rows_a, acc.at[dst_v.at[ja]], ssem_a, add=True)
            pltpu.make_async_copy(x_hbm.at[src_v.at[jb]], rows_b, gsem_b).wait()
            pltpu.async_copy(rows_b, acc.at[dst_v.at[jb]], ssem_b, add=True)
            jna = jnp.minimum(ja + 2, HALF_CHUNKS - 1)
            jnb = jnp.minimum(jb + 2, HALF_CHUNKS - 1)
            pltpu.make_async_copy(rows_a, acc.at[dst_v.at[ja]], ssem_a).wait()
            pltpu.async_copy(x_hbm.at[src_v.at[jna]], rows_a, gsem_a)
            pltpu.make_async_copy(rows_b, acc.at[dst_v.at[jb]], ssem_b).wait()
            pltpu.async_copy(x_hbm.at[src_v.at[jnb]], rows_b, gsem_b)
            return carry

        lax.fori_loop(0, HALF_CHUNKS // 2, body, 0)
        pltpu.make_async_copy(x_hbm.at[src_v.at[HALF_CHUNKS - 1]], rows_a,
                              gsem_a).wait()
        pltpu.make_async_copy(x_hbm.at[src_v.at[HALF_CHUNKS - 1]], rows_b,
                              gsem_b).wait()

    plsc.subcore_barrier()
    pltpu.sync_copy(acc.at[rs], out_hbm.at[c, rs])


_sc_ax = pl.kernel(
    _sc_body,
    out_type=jax.ShapeDtypeStruct((NC, ACC_ROWS, D), jnp.float32),
    mesh=plsc.VectorSubcoreMesh(core_axis_name="c", subcore_axis_name="s"),
    scratch_types=[
        pltpu.VMEM((HALF_CHUNKS, CHUNK), jnp.int32),
        pltpu.VMEM((HALF_CHUNKS, CHUNK), jnp.int32),
        pltpu.VMEM((CHUNK, D), jnp.float32),
        pltpu.VMEM((CHUNK, D), jnp.float32),
        pltpu.VMEM_SHARED((ACC_ROWS, D), jnp.float32),
        pltpu.SemaphoreType.DMA,
        pltpu.SemaphoreType.DMA,
        pltpu.SemaphoreType.DMA,
        pltpu.SemaphoreType.DMA,
        pltpu.SemaphoreType.DMA,
    ],
)


ROW_BLK = 1000
N_BLKS = N_NODES // ROW_BLK


def _tc_body(p_ref, w_ref, b_ref, o_ref):
    s = p_ref[0] + p_ref[1]
    o_ref[...] = (
        jnp.dot(s, w_ref[...], preferred_element_type=jnp.float32) + b_ref[...]
    )


@jax.jit
def kernel(X, edge_index, W, b):
    src = edge_index[0].astype(jnp.int32)
    dst = edge_index[1].astype(jnp.int32)
    pad = E_PAD - N_EDGES
    pad_dst = N_NODES + (jnp.arange(pad, dtype=jnp.int32) % (ACC_ROWS - N_NODES))
    pad_src = jnp.arange(pad, dtype=jnp.int32) % N_NODES
    src_p = jnp.concatenate([src, pad_src])
    dst_p = jnp.concatenate([dst, pad_dst])
    src3 = src_p.reshape(NW, N_HALVES, HALF_CHUNKS, CHUNK)
    dst3 = dst_p.reshape(NW, N_HALVES, HALF_CHUNKS, CHUNK)
    zrows = jnp.zeros((ROWS_PER_TILE, D), jnp.float32)

    partials = _sc_ax(X, src3, dst3, zrows)

    out = pl.pallas_call(
        _tc_body,
        grid=(N_BLKS,),
        in_specs=[
            pl.BlockSpec((NC, ROW_BLK, D), lambda i: (0, i, 0)),
            pl.BlockSpec((D, D), lambda i: (0, 0)),
            pl.BlockSpec((1, D), lambda i: (0, 0)),
        ],
        out_specs=pl.BlockSpec((ROW_BLK, D), lambda i: (i, 0)),
        out_shape=jax.ShapeDtypeStruct((N_NODES, D), jnp.float32),
    )(partials, W, b.reshape(1, D))
    return out

# --- scband reference (transcript-rebuilt; emitter-appended) ---
"""Pipeline reference for scband-gcnlayer-10290741641441 (READ-ONLY COPY).

The authoritative reference and input builder live on the scoring server;
editing this copy changes nothing except your own understanding.
"""

import jax, jax.numpy as jnp
import numpy as np

N_NODES = 10000
N_EDGES = 320000
D_FEAT = 128
UNITS = 128

def setup_inputs(seed: int = 0) -> dict:
    key = jax.random.key(seed)
    k1, k2, k3 = jax.random.split(key, 3)
    X = jax.random.normal(k1, (N_NODES, D_FEAT), dtype=jnp.float32)
    edge_index = jax.random.randint(k2, (2, N_EDGES), 0, N_NODES, dtype=jnp.int64)
    # glorot_uniform init for W
    limit = np.sqrt(6.0 / (D_FEAT + UNITS))
    W = jax.random.uniform(k3, (D_FEAT, UNITS), minval=-limit, maxval=limit, dtype=jnp.float32)
    b = jnp.zeros((UNITS,), dtype=jnp.float32)
    return {"X": X, "edge_index": edge_index, "W": W, "b": b}

def reference(X, edge_index, W, b):
    # GCN layer: output = A @ (X @ W) + b, with A given as sparse COO edge list.
    # h = X W  (dense matmul)
    h = jnp.matmul(X, W)
    src = edge_index[0]
    dst = edge_index[1]
    # A @ h as gather rows by src then scatter-add into dst rows
    gathered = jnp.take(h, src, axis=0)
    out = jax.ops.segment_sum(gathered, dst, num_segments=X.shape[0])
    out = out + b
    # activation is identity (default lambda x: x)
    return out

if __name__ == "__main__":
    import jax
    _d = setup_inputs()
    print(jax.jit(kernel)(*tuple(_d.values())))

</pallas_src>

<mosaic_0001>
#map = affine_map<(d0, d1) -> (0, 0)>
#map1 = affine_map<(d0, d1) -> (0, 0, 0, 0)>
#map2 = affine_map<(d0, d1) -> (0, 0, 0)>
module attributes {stable_mosaic.version = 14 : i64} {
  func.func @_sc_body(%arg0: i32, %arg1: i32, %arg2: memref<10000x128xf32, #tpu.memory_space<hbm>>, %arg3: memref<32x2x40x128xi32, #tpu.memory_space<hbm>>, %arg4: memref<32x2x40x128xi32, #tpu.memory_space<hbm>>, %arg5: memref<632x128xf32, #tpu.memory_space<hbm>>, %arg6: memref<2x10112x128xf32, #tpu.memory_space<hbm>>, %arg7: memref<40x128xi32, #tpu.memory_space<vmem>>, %arg8: memref<40x128xi32, #tpu.memory_space<vmem>>, %arg9: memref<128x128xf32, #tpu.memory_space<vmem>>, %arg10: memref<128x128xf32, #tpu.memory_space<vmem>>, %arg11: memref<10112x128xf32, #tpu.memory_space<vmem_shared>>, %arg12: memref<!tpu.dma_semaphore, #tpu.memory_space<semaphore_mem>>, %arg13: memref<!tpu.dma_semaphore, #tpu.memory_space<semaphore_mem>>, %arg14: memref<!tpu.dma_semaphore, #tpu.memory_space<semaphore_mem>>, %arg15: memref<!tpu.dma_semaphore, #tpu.memory_space<semaphore_mem>>, %arg16: memref<!tpu.dma_semaphore, #tpu.memory_space<semaphore_mem>>) attributes {dimension_semantics = [#tpu.dimension_semantics<core_parallel>, #tpu.dimension_semantics<subcore_parallel>], iteration_bounds = array<i64: 2, 16>, scalar_prefetch = 0 : i64, scratch_operands = 10 : i64, tpu.core_type = #tpu.core_type<sc_vector_subcore>, window_params = [{transform_indices = #map}, {transform_indices = #map1}, {transform_indices = #map1}, {transform_indices = #map}, {transform_indices = #map2}]} {
    %mul3A = arith.constant 2 : i32
    %mul3A_0 = arith.muli %arg1, %mul3A : i32
    %add3A = arith.addi %mul3A_0, %arg0 : i32
    %mul3A_1 = arith.constant 632 : i32
    %mul3A_2 = arith.muli %arg1, %mul3A_1 : i32
    %dma_start3A = arith.constant 0 : i32
    %dma_start3A_3 = tpu.memref_slice %arg11[%mul3A_2, %dma_start3A] : memref<10112x128xf32, #tpu.memory_space<vmem_shared>> -> memref<632x128xf32, #tpu.memory_space<vmem_shared>>
    tpu.enqueue_dma source(%arg5 : memref<632x128xf32, #tpu.memory_space<hbm>>) target(%dma_start3A_3 : memref<632x128xf32, #tpu.memory_space<vmem_shared>>) target_semaphore(%arg16 : memref<!tpu.dma_semaphore, #tpu.memory_space<semaphore_mem>>)
    %run_scoped3A = arith.constant 0 : i32
    "tpu.region"() ({
      %run_scoped3A_76 = tpu.sem_alloc : memref<!tpu.dma_semaphore, #tpu.memory_space<semaphore_mem>>
      %dma_start3A_77 = arith.constant 0 : i32
      %dma_start3A_78 = arith.constant 0 : i32
      %dma_start3A_79 = tpu.memref_slice %arg3[%add3A, %run_scoped3A, %dma_start3A_77, %dma_start3A_78] : memref<32x2x40x128xi32, #tpu.memory_space<hbm>> -> memref<1x1x40x128xi32, #tpu.memory_space<hbm>>
      %dma_start3A_80 = tpu.memref_squeeze %dma_start3A_79 : memref<1x1x40x128xi32, #tpu.memory_space<hbm>> -> memref<40x128xi32, #tpu.memory_space<hbm>>
      %dma_start3A_81 = arith.constant 0 : i32
      %dma_start3A_82 = arith.constant 0 : i32
      %dma_start3A_83 = tpu.memref_slice %arg3[%add3A, %run_scoped3A, %dma_start3A_81, %dma_start3A_82] : memref<32x2x40x128xi32, #tpu.memory_space<hbm>> -> memref<1x1x40x128xi32, #tpu.memory_space<hbm>>
      %dma_start3A_84 = tpu.memref_squeeze %dma_start3A_83 : memref<1x1x40x128xi32, #tpu.memory_space<hbm>> -> memref<40x128xi32, #tpu.memory_space<hbm>>
      tpu.enqueue_dma source(%dma_start3A_84 : memref<40x128xi32, #tpu.memory_space<hbm>>) target(%arg7 : memref<40x128xi32, #tpu.memory_space<vmem>>) target_semaphore(%run_scoped3A_76 : memref<!tpu.dma_semaphore, #tpu.memory_space<semaphore_mem>>)
      %dma_wait3A_85 = arith.constant 0 : i32
      %dma_wait3A_86 = arith.constant 0 : i32
      %dma_wait3A_87 = tpu.memref_slice %arg3[%add3A, %run_scoped3A, %dma_wait3A_85, %dma_wait3A_86] : memref<32x2x40x128xi32, #tpu.memory_space<hbm>> -> memref<1x1x40x128xi32, #tpu.memory_space<hbm>>
      %dma_wait3A_88 = tpu.memref_squeeze %dma_wait3A_87 : memref<1x1x40x128xi32, #tpu.memory_space<hbm>> -> memref<40x128xi32, #tpu.memory_space<hbm>>
      %dma_wait3A_89 = arith.constant 0 : i32
      %dma_wait3A_90 = arith.constant 0 : i32
      %dma_wait3A_91 = tpu.memref_slice %arg3[%add3A, %run_scoped3A, %dma_wait3A_89, %dma_wait3A_90] : memref<32x2x40x128xi32, #tpu.memory_space<hbm>> -> memref<1x1x40x128xi32, #tpu.memory_space<hbm>>
      %dma_wait3A_92 = tpu.memref_squeeze %dma_wait3A_91 : memref<1x1x40x128xi32, #tpu.memory_space<hbm>> -> memref<40x128xi32, #tpu.memory_space<hbm>>
      tpu.wait_dma2 semaphore(%run_scoped3A_76 : memref<!tpu.dma_semaphore, #tpu.memory_space<semaphore_mem>>) src(%dma_wait3A_92 : memref<40x128xi32, #tpu.memory_space<hbm>>) dst(%arg7 : memref<40x128xi32, #tpu.memory_space<vmem>>)
      tpu.yield
    }) : () -> ()
    %run_scoped3A_4 = arith.constant 0 : i32
    "tpu.region"() ({
      %run_scoped3A_76 = tpu.sem_alloc : memref<!tpu.dma_semaphore, #tpu.memory_space<semaphore_mem>>
      %dma_start3A_77 = arith.constant 0 : i32
      %dma_start3A_78 = arith.constant 0 : i32
      %dma_start3A_79 = tpu.memref_slice %arg4[%add3A, %run_scoped3A_4, %dma_start3A_77, %dma_start3A_78] : memref<32x2x40x128xi32, #tpu.memory_space<hbm>> -> memref<1x1x40x128xi32, #tpu.memory_space<hbm>>
      %dma_start3A_80 = tpu.memref_squeeze %dma_start3A_79 : memref<1x1x40x128xi32, #tpu.memory_space<hbm>> -> memref<40x128xi32, #tpu.memory_space<hbm>>
      %dma_start3A_81 = arith.constant 0 : i32
      %dma_start3A_82 = arith.constant 0 : i32
      %dma_start3A_83 = tpu.memref_slice %arg4[%add3A, %run_scoped3A_4, %dma_start3A_81, %dma_start3A_82] : memref<32x2x40x128xi32, #tpu.memory_space<hbm>> -> memref<1x1x40x128xi32, #tpu.memory_space<hbm>>
      %dma_start3A_84 = tpu.memref_squeeze %dma_start3A_83 : memref<1x1x40x128xi32, #tpu.memory_space<hbm>> -> memref<40x128xi32, #tpu.memory_space<hbm>>
      tpu.enqueue_dma source(%dma_start3A_84 : memref<40x128xi32, #tpu.memory_space<hbm>>) target(%arg8 : memref<40x128xi32, #tpu.memory_space<vmem>>) target_semaphore(%run_scoped3A_76 : memref<!tpu.dma_semaphore, #tpu.memory_space<semaphore_mem>>)
      %dma_wait3A_85 = arith.constant 0 : i32
      %dma_wait3A_86 = arith.constant 0 : i32
      %dma_wait3A_87 = tpu.memref_slice %arg4[%add3A, %run_scoped3A_4, %dma_wait3A_85, %dma_wait3A_86] : memref<32x2x40x128xi32, #tpu.memory_space<hbm>> -> memref<1x1x40x128xi32, #tpu.memory_space<hbm>>
      %dma_wait3A_88 = tpu.memref_squeeze %dma_wait3A_87 : memref<1x1x40x128xi32, #tpu.memory_space<hbm>> -> memref<40x128xi32, #tpu.memory_space<hbm>>
      %dma_wait3A_89 = arith.constant 0 : i32
      %dma_wait3A_90 = arith.constant 0 : i32
      %dma_wait3A_91 = tpu.memref_slice %arg4[%add3A, %run_scoped3A_4, %dma_wait3A_89, %dma_wait3A_90] : memref<32x2x40x128xi32, #tpu.memory_space<hbm>> -> memref<1x1x40x128xi32, #tpu.memory_space<hbm>>
      %dma_wait3A_92 = tpu.memref_squeeze %dma_wait3A_91 : memref<1x1x40x128xi32, #tpu.memory_space<hbm>> -> memref<40x128xi32, #tpu.memory_space<hbm>>
      tpu.wait_dma2 semaphore(%run_scoped3A_76 : memref<!tpu.dma_semaphore, #tpu.memory_space<semaphore_mem>>) src(%dma_wait3A_92 : memref<40x128xi32, #tpu.memory_space<hbm>>) dst(%arg8 : memref<40x128xi32, #tpu.memory_space<vmem>>)
      tpu.yield
    }) : () -> ()
    %dma_wait3A = arith.constant 0 : i32
    %dma_wait3A_5 = tpu.memref_slice %arg11[%mul3A_2, %dma_wait3A] : memref<10112x128xf32, #tpu.memory_space<vmem_shared>> -> memref<632x128xf32, #tpu.memory_space<vmem_shared>>
    tpu.wait_dma2 semaphore(%arg16 : memref<!tpu.dma_semaphore, #tpu.memory_space<semaphore_mem>>) src(%arg5 : memref<632x128xf32, #tpu.memory_space<hbm>>) dst(%dma_wait3A_5 : memref<632x128xf32, #tpu.memory_space<vmem_shared>>)
    %barrier3A = arith.constant 0 : index
    tpu.barrier barrier_id(%barrier3A)
    %dma_start3A_6 = arith.constant 0 : i32
    %dma_start3A_7 = arith.constant 0 : i32
    %dma_start3A_8 = tpu.memref_slice %arg7[%dma_start3A_6, %dma_start3A_7] : memref<40x128xi32, #tpu.memory_space<vmem>> -> memref<1x128xi32, #tpu.memory_space<vmem>>
    %dma_start3A_9 = tpu.memref_squeeze %dma_start3A_8 : memref<1x128xi32, #tpu.memory_space<vmem>> -> memref<128xi32, #tpu.memory_space<vmem>>
    %dma_start3A_10 = arith.constant 0 : i32
    %dma_start3A_11 = arith.constant 0 : i32
    %dma_start3A_12 = tpu.memref_slice %arg2[%dma_start3A_10, %dma_start3A_11] : memref<10000x128xf32, #tpu.memory_space<hbm>> -> memref<10000x128xf32, #tpu.memory_space<hbm>>
    tpu.enqueue_indirect_dma source(%dma_start3A_12 : memref<10000x128xf32, #tpu.memory_space<hbm>>) target(%arg9 : memref<128x128xf32, #tpu.memory_space<vmem>>) offsets(%dma_start3A_9 : memref<128xi32, #tpu.memory_space<vmem>>) semaphore(%arg12 : memref<!tpu.dma_semaphore, #tpu.memory_space<semaphore_mem>>)
    %dma_start3A_13 = arith.constant 1 : i32
    %dma_start3A_14 = arith.constant 0 : i32
    %dma_start3A_15 = tpu.memref_slice %arg7[%dma_start3A_13, %dma_start3A_14] : memref<40x128xi32, #tpu.memory_space<vmem>> -> memref<1x128xi32, #tpu.memory_space<vmem>>
    %dma_start3A_16 = tpu.memref_squeeze %dma_start3A_15 : memref<1x128xi32, #tpu.memory_space<vmem>> -> memref<128xi32, #tpu.memory_space<vmem>>
    %dma_start3A_17 = arith.constant 0 : i32
    %dma_start3A_18 = arith.constant 0 : i32
    %dma_start3A_19 = tpu.memref_slice %arg2[%dma_start3A_17, %dma_start3A_18] : memref<10000x128xf32, #tpu.memory_space<hbm>> -> memref<10000x128xf32, #tpu.memory_space<hbm>>
    tpu.enqueue_indirect_dma source(%dma_start3A_19 : memref<10000x128xf32, #tpu.memory_space<hbm>>) target(%arg10 : memref<128x128xf32, #tpu.memory_space<vmem>>) offsets(%dma_start3A_16 : memref<128xi32, #tpu.memory_space<vmem>>) semaphore(%arg13 : memref<!tpu.dma_semaphore, #tpu.memory_space<semaphore_mem>>)
    %scan3A = arith.constant 0 : i32
    %scan3A_20 = arith.constant 0 : i32
    %scan3A_21 = arith.constant 20 : i32
    %scan3A_22 = arith.addi %scan3A_20, %scan3A_21 : i32
    %scan3A_23 = arith.constant 1 : i32
    scf.for %scan3A_76 = %scan3A_20 to %scan3A_22 step %scan3A_23  : i32 {
      %mul3A_77 = arith.constant 2 : i32
      %mul3A_78 = arith.muli %mul3A_77, %scan3A_76 : i32
      %mul3A_79 = arith.constant 2 : i32
      %mul3A_80 = arith.muli %mul3A_79, %scan3A_76 : i32
      %add3A_81 = arith.constant 1 : i32
      %add3A_82 = arith.addi %mul3A_80, %add3A_81 : i32
      %dma_wait3A_83 = arith.constant 0 : i32
      %dma_wait3A_84 = tpu.memref_slice %arg7[%mul3A_78, %dma_wait3A_83] : memref<40x128xi32, #tpu.memory_space<vmem>> -> memref<1x128xi32, #tpu.memory_space<vmem>>
      %dma_wait3A_85 = tpu.memref_squeeze %dma_wait3A_84 : memref<1x128xi32, #tpu.memory_space<vmem>> -> memref<128xi32, #tpu.memory_space<vmem>>
      %dma_wait3A_86 = arith.constant 0 : i32
      %dma_wait3A_87 = arith.constant 0 : i32
      %dma_wait3A_88 = tpu.memref_slice %arg2[%dma_wait3A_86, %dma_wait3A_87] : memref<10000x128xf32, #tpu.memory_space<hbm>> -> memref<10000x128xf32, #tpu.memory_space<hbm>>
      tpu.wait_indirect_dma semaphore(%arg12 : memref<!tpu.dma_semaphore, #tpu.memory_space<semaphore_mem>>) src(%dma_wait3A_88 : memref<10000x128xf32, #tpu.memory_space<hbm>>) dst(%arg9 : memref<128x128xf32, #tpu.memory_space<vmem>>)
      %dma_start3A_89 = arith.constant 0 : i32
      %dma_start3A_90 = tpu.memref_slice %arg8[%mul3A_78, %dma_start3A_89] : memref<40x128xi32, #tpu.memory_space<vmem>> -> memref<1x128xi32, #tpu.memory_space<vmem>>
      %dma_start3A_91 = tpu.memref_squeeze %dma_start3A_90 : memref<1x128xi32, #tpu.memory_space<vmem>> -> memref<128xi32, #tpu.memory_space<vmem>>
      %dma_start3A_92 = arith.constant 0 : i32
      %dma_start3A_93 = arith.constant 0 : i32
      %dma_start3A_94 = tpu.memref_slice %arg11[%dma_start3A_92, %dma_start3A_93] : memref<10112x128xf32, #tpu.memory_space<vmem_shared>> -> memref<10112x128xf32, #tpu.memory_space<vmem_shared>>
      tpu.enqueue_indirect_dma source(%arg9 : memref<128x128xf32, #tpu.memory_space<vmem>>) target(%dma_start3A_94 : memref<10112x128xf32, #tpu.memory_space<vmem_shared>>) offsets(%dma_start3A_91 : memref<128xi32, #tpu.memory_space<vmem>>) semaphore(%arg14 : memref<!tpu.dma_semaphore, #tpu.memory_space<semaphore_mem>>) {add = true}
      %dma_wait3A_95 = arith.constant 0 : i32
      %dma_wait3A_96 = tpu.memref_slice %arg7[%add3A_82, %dma_wait3A_95] : memref<40x128xi32, #tpu.memory_space<vmem>> -> memref<1x128xi32, #tpu.memory_space<vmem>>
      %dma_wait3A_97 = tpu.memref_squeeze %dma_wait3A_96 : memref<1x128xi32, #tpu.memory_space<vmem>> -> memref<128xi32, #tpu.memory_space<vmem>>
      %dma_wait3A_98 = arith.constant 0 : i32
      %dma_wait3A_99 = arith.constant 0 : i32
      %dma_wait3A_100 = tpu.memref_slice %arg2[%dma_wait3A_98, %dma_wait3A_99] : memref<10000x128xf32, #tpu.memory_space<hbm>> -> memref<10000x128xf32, #tpu.memory_space<hbm>>
      tpu.wait_indirect_dma semaphore(%arg13 : memref<!tpu.dma_semaphore, #tpu.memory_space<semaphore_mem>>) src(%dma_wait3A_100 : memref<10000x128xf32, #tpu.memory_space<hbm>>) dst(%arg10 : memref<128x128xf32, #tpu.memory_space<vmem>>)
      %dma_start3A_101 = arith.constant 0 : i32
      %dma_start3A_102 = tpu.memref_slice %arg8[%add3A_82, %dma_start3A_101] : memref<40x128xi32, #tpu.memory_space<vmem>> -> memref<1x128xi32, #tpu.memory_space<vmem>>
      %dma_start3A_103 = tpu.memref_squeeze %dma_start3A_102 : memref<1x128xi32, #tpu.memory_space<vmem>> -> memref<128xi32, #tpu.memory_space<vmem>>
      %dma_start3A_104 = arith.constant 0 : i32
      %dma_start3A_105 = arith.constant 0 : i32
      %dma_start3A_106 = tpu.memref_slice %arg11[%dma_start3A_104, %dma_start3A_105] : memref<10112x128xf32, #tpu.memory_space<vmem_shared>> -> memref<10112x128xf32, #tpu.memory_space<vmem_shared>>
      tpu.enqueue_indirect_dma source(%arg10 : memref<128x128xf32, #tpu.memory_space<vmem>>) target(%dma_start3A_106 : memref<10112x128xf32, #tpu.memory_space<vmem_shared>>) offsets(%dma_start3A_103 : memref<128xi32, #tpu.memory_space<vmem>>) semaphore(%arg15 : memref<!tpu.dma_semaphore, #tpu.memory_space<semaphore_mem>>) {add = true}
      %add3A_107 = arith.constant 2 : i32
      %add3A_108 = arith.addi %mul3A_78, %add3A_107 : i32
      %min3A = arith.constant 39 : i32
      %min3A_109 = arith.minsi %add3A_108, %min3A : i32
      %add3A_110 = arith.constant 2 : i32
      %add3A_111 = arith.addi %add3A_82, %add3A_110 : i32
      %min3A_112 = arith.constant 39 : i32
      %min3A_113 = arith.minsi %add3A_111, %min3A_112 : i32
      %dma_wait3A_114 = arith.constant 0 : i32
      %dma_wait3A_115 = tpu.memref_slice %arg8[%mul3A_78, %dma_wait3A_114] : memref<40x128xi32, #tpu.memory_space<vmem>> -> memref<1x128xi32, #tpu.memory_space<vmem>>
      %dma_wait3A_116 = tpu.memref_squeeze %dma_wait3A_115 : memref<1x128xi32, #tpu.memory_space<vmem>> -> memref<128xi32, #tpu.memory_space<vmem>>
      %dma_wait3A_117 = arith.constant 0 : i32
      %dma_wait3A_118 = arith.constant 0 : i32
      %dma_wait3A_119 = tpu.memref_slice %arg11[%dma_wait3A_117, %dma_wait3A_118] : memref<10112x128xf32, #tpu.memory_space<vmem_shared>> -> memref<10112x128xf32, #tpu.memory_space<vmem_shared>>
      tpu.wait_indirect_dma semaphore(%arg14 : memref<!tpu.dma_semaphore, #tpu.memory_space<semaphore_mem>>) src(%arg9 : memref<128x128xf32, #tpu.memory_space<vmem>>) dst(%dma_wait3A_119 : memref<10112x128xf32, #tpu.memory_space<vmem_shared>>)
      %dma_start3A_120 = arith.constant 0 : i32
      %dma_start3A_121 = tpu.memref_slice %arg7[%min3A_109, %dma_start3A_120] : memref<40x128xi32, #tpu.memory_space<vmem>> -> memref<1x128xi32, #tpu.memory_space<vmem>>
      %dma_start3A_122 = tpu.memref_squeeze %dma_start3A_121 : memref<1x128xi32, #tpu.memory_space<vmem>> -> memref<128xi32, #tpu.memory_space<vmem>>
      %dma_start3A_123 = arith.constant 0 : i32
      %dma_start3A_124 = arith.constant 0 : i32
      %dma_start3A_125 = tpu.memref_slice %arg2[%dma_start3A_123, %dma_start3A_124] : memref<10000x128xf32, #tpu.memory_space<hbm>> -> memref<10000x128xf32, #tpu.memory_space<hbm>>
      tpu.enqueue_indirect_dma source(%dma_start3A_125 : memref<10000x128xf32, #tpu.memory_space<hbm>>) target(%arg9 : memref<128x128xf32, #tpu.memory_space<vmem>>) offsets(%dma_start3A_122 : memref<128xi32, #tpu.memory_space<vmem>>) semaphore(%arg12 : memref<!tpu.dma_semaphore, #tpu.memory_space<semaphore_mem>>)
      %dma_wait3A_126 = arith.constant 0 : i32
      %dma_wait3A_127 = tpu.memref_slice %arg8[%add3A_82, %dma_wait3A_126] : memref<40x128xi32, #tpu.memory_space<vmem>> -> memref<1x128xi32, #tpu.memory_space<vmem>>
      %dma_wait3A_128 = tpu.memref_squeeze %dma_wait3A_127 : memref<1x128xi32, #tpu.memory_space<vmem>> -> memref<128xi32, #tpu.memory_space<vmem>>
      %dma_wait3A_129 = arith.constant 0 : i32
      %dma_wait3A_130 = arith.constant 0 : i32
      %dma_wait3A_131 = tpu.memref_slice %arg11[%dma_wait3A_129, %dma_wait3A_130] : memref<10112x128xf32, #tpu.memory_space<vmem_shared>> -> memref<10112x128xf32, #tpu.memory_space<vmem_shared>>
      tpu.wait_indirect_dma semaphore(%arg15 : memref<!tpu.dma_semaphore, #tpu.memory_space<semaphore_mem>>) src(%arg10 : memref<128x128xf32, #tpu.memory_space<vmem>>) dst(%dma_wait3A_131 : memref<10112x128xf32, #tpu.memory_space<vmem_shared>>)
      %dma_start3A_132 = arith.constant 0 : i32
      %dma_start3A_133 = tpu.memref_slice %arg7[%min3A_113, %dma_start3A_132] : memref<40x128xi32, #tpu.memory_space<vmem>> -> memref<1x128xi32, #tpu.memory_space<vmem>>
      %dma_start3A_134 = tpu.memref_squeeze %dma_start3A_133 : memref<1x128xi32, #tpu.memory_space<vmem>> -> memref<128xi32, #tpu.memory_space<vmem>>
      %dma_start3A_135 = arith.constant 0 : i32
      %dma_start3A_136 = arith.constant 0 : i32
      %dma_start3A_137 = tpu.memref_slice %arg2[%dma_start3A_135, %dma_start3A_136] : memref<10000x128xf32, #tpu.memory_space<hbm>> -> memref<10000x128xf32, #tpu.memory_space<hbm>>
      tpu.enqueue_indirect_dma source(%dma_start3A_137 : memref<10000x128xf32, #tpu.memory_space<hbm>>) target(%arg10 : memref<128x128xf32, #tpu.memory_space<vmem>>) offsets(%dma_start3A_134 : memref<128xi32, #tpu.memory_space<vmem>>) semaphore(%arg13 : memref<!tpu.dma_semaphore, #tpu.memory_space<semaphore_mem>>)
    }
    %scan3A_24 = arith.constant 20 : i32
    %dma_wait3A_25 = arith.constant 39 : i32
    %dma_wait3A_26 = arith.constant 0 : i32
    %dma_wait3A_27 = tpu.memref_slice %arg7[%dma_wait3A_25, %dma_wait3A_26] : memref<40x128xi32, #tpu.memory_space<vmem>> -> memref<1x128xi32, #tpu.memory_space<vmem>>
    %dma_wait3A_28 = tpu.memref_squeeze %dma_wait3A_27 : memref<1x128xi32, #tpu.memory_space<vmem>> -> memref<128xi32, #tpu.memory_space<vmem>>
    %dma_wait3A_29 = arith.constant 0 : i32
    %dma_wait3A_30 = arith.constant 0 : i32
    %dma_wait3A_31 = tpu.memref_slice %arg2[%dma_wait3A_29, %dma_wait3A_30] : memref<10000x128xf32, #tpu.memory_space<hbm>> -> memref<10000x128xf32, #tpu.memory_space<hbm>>
    tpu.wait_indirect_dma semaphore(%arg12 : memref<!tpu.dma_semaphore, #tpu.memory_space<semaphore_mem>>) src(%dma_wait3A_31 : memref<10000x128xf32, #tpu.memory_space<hbm>>) dst(%arg9 : memref<128x128xf32, #tpu.memory_space<vmem>>)
    %dma_wait3A_32 = arith.constant 39 : i32
    %dma_wait3A_33 = arith.constant 0 : i32
    %dma_wait3A_34 = tpu.memref_slice %arg7[%dma_wait3A_32, %dma_wait3A_33] : memref<40x128xi32, #tpu.memory_space<vmem>> -> memref<1x128xi32, #tpu.memory_space<vmem>>
    %dma_wait3A_35 = tpu.memref_squeeze %dma_wait3A_34 : memref<1x128xi32, #tpu.memory_space<vmem>> -> memref<128xi32, #tpu.memory_space<vmem>>
    %dma_wait3A_36 = arith.constant 0 : i32
    %dma_wait3A_37 = arith.constant 0 : i32
    %dma_wait3A_38 = tpu.memref_slice %arg2[%dma_wait3A_36, %dma_wait3A_37] : memref<10000x128xf32, #tpu.memory_space<hbm>> -> memref<10000x128xf32, #tpu.memory_space<hbm>>
    tpu.wait_indirect_dma semaphore(%arg13 : memref<!tpu.dma_semaphore, #tpu.memory_space<semaphore_mem>>) src(%dma_wait3A_38 : memref<10000x128xf32, #tpu.memory_space<hbm>>) dst(%arg10 : memref<128x128xf32, #tpu.memory_space<vmem>>)
    %run_scoped3A_39 = arith.constant 1 : i32
    "tpu.region"() ({
      %run_scoped3A_76 = tpu.sem_alloc : memref<!tpu.dma_semaphore, #tpu.memory_space<semaphore_mem>>
      %dma_start3A_77 = arith.constant 0 : i32
      %dma_start3A_78 = arith.constant 0 : i32
      %dma_start3A_79 = tpu.memref_slice %arg3[%add3A, %run_scoped3A_39, %dma_start3A_77, %dma_start3A_78] : memref<32x2x40x128xi32, #tpu.memory_space<hbm>> -> memref<1x1x40x128xi32, #tpu.memory_space<hbm>>
      %dma_start3A_80 = tpu.memref_squeeze %dma_start3A_79 : memref<1x1x40x128xi32, #tpu.memory_space<hbm>> -> memref<40x128xi32, #tpu.memory_space<hbm>>
      %dma_start3A_81 = arith.constant 0 : i32
      %dma_start3A_82 = arith.constant 0 : i32
      %dma_start3A_83 = tpu.memref_slice %arg3[%add3A, %run_scoped3A_39, %dma_start3A_81, %dma_start3A_82] : memref<32x2x40x128xi32, #tpu.memory_space<hbm>> -> memref<1x1x40x128xi32, #tpu.memory_space<hbm>>
      %dma_start3A_84 = tpu.memref_squeeze %dma_start3A_83 : memref<1x1x40x128xi32, #tpu.memory_space<hbm>> -> memref<40x128xi32, #tpu.memory_space<hbm>>
      tpu.enqueue_dma source(%dma_start3A_84 : memref<40x128xi32, #tpu.memory_space<hbm>>) target(%arg7 : memref<40x128xi32, #tpu.memory_space<vmem>>) target_semaphore(%run_scoped3A_76 : memref<!tpu.dma_semaphore, #tpu.memory_space<semaphore_mem>>)
      %dma_wait3A_85 = arith.constant 0 : i32
      %dma_wait3A_86 = arith.constant 0 : i32
      %dma_wait3A_87 = tpu.memref_slice %arg3[%add3A, %run_scoped3A_39, %dma_wait3A_85, %dma_wait3A_86] : memref<32x2x40x128xi32, #tpu.memory_space<hbm>> -> memref<1x1x40x128xi32, #tpu.memory_space<hbm>>
      %dma_wait3A_88 = tpu.memref_squeeze %dma_wait3A_87 : memref<1x1x40x128xi32, #tpu.memory_space<hbm>> -> memref<40x128xi32, #tpu.memory_space<hbm>>
      %dma_wait3A_89 = arith.constant 0 : i32
      %dma_wait3A_90 = arith.constant 0 : i32
      %dma_wait3A_91 = tpu.memref_slice %arg3[%add3A, %run_scoped3A_39, %dma_wait3A_89, %dma_wait3A_90] : memref<32x2x40x128xi32, #tpu.memory_space<hbm>> -> memref<1x1x40x128xi32, #tpu.memory_space<hbm>>
      %dma_wait3A_92 = tpu.memref_squeeze %dma_wait3A_91 : memref<1x1x40x128xi32, #tpu.memory_space<hbm>> -> memref<40x128xi32, #tpu.memory_space<hbm>>
      tpu.wait_dma2 semaphore(%run_scoped3A_76 : memref<!tpu.dma_semaphore, #tpu.memory_space<semaphore_mem>>) src(%dma_wait3A_92 : memref<40x128xi32, #tpu.memory_space<hbm>>) dst(%arg7 : memref<40x128xi32, #tpu.memory_space<vmem>>)
      tpu.yield
    }) : () -> ()
    %run_scoped3A_40 = arith.constant 1 : i32
    "tpu.region"() ({
      %run_scoped3A_76 = tpu.sem_alloc : memref<!tpu.dma_semaphore, #tpu.memory_space<semaphore_mem>>
      %dma_start3A_77 = arith.constant 0 : i32
      %dma_start3A_78 = arith.constant 0 : i32
      %dma_start3A_79 = tpu.memref_slice %arg4[%add3A, %run_scoped3A_40, %dma_start3A_77, %dma_start3A_78] : memref<32x2x40x128xi32, #tpu.memory_space<hbm>> -> memref<1x1x40x128xi32, #tpu.memory_space<hbm>>
      %dma_start3A_80 = tpu.memref_squeeze %dma_start3A_79 : memref<1x1x40x128xi32, #tpu.memory_space<hbm>> -> memref<40x128xi32, #tpu.memory_space<hbm>>
      %dma_start3A_81 = arith.constant 0 : i32
      %dma_start3A_82 = arith.constant 0 : i32
      %dma_start3A_83 = tpu.memref_slice %arg4[%add3A, %run_scoped3A_40, %dma_start3A_81, %dma_start3A_82] : memref<32x2x40x128xi32, #tpu.memory_space<hbm>> -> memref<1x1x40x128xi32, #tpu.memory_space<hbm>>
      %dma_start3A_84 = tpu.memref_squeeze %dma_start3A_83 : memref<1x1x40x128xi32, #tpu.memory_space<hbm>> -> memref<40x128xi32, #tpu.memory_space<hbm>>
      tpu.enqueue_dma source(%dma_start3A_84 : memref<40x128xi32, #tpu.memory_space<hbm>>) target(%arg8 : memref<40x128xi32, #tpu.memory_space<vmem>>) target_semaphore(%run_scoped3A_76 : memref<!tpu.dma_semaphore, #tpu.memory_space<semaphore_mem>>)
      %dma_wait3A_85 = arith.constant 0 : i32
      %dma_wait3A_86 = arith.constant 0 : i32
      %dma_wait3A_87 = tpu.memref_slice %arg4[%add3A, %run_scoped3A_40, %dma_wait3A_85, %dma_wait3A_86] : memref<32x2x40x128xi32, #tpu.memory_space<hbm>> -> memref<1x1x40x128xi32, #tpu.memory_space<hbm>>
      %dma_wait3A_88 = tpu.memref_squeeze %dma_wait3A_87 : memref<1x1x40x128xi32, #tpu.memory_space<hbm>> -> memref<40x128xi32, #tpu.memory_space<hbm>>
      %dma_wait3A_89 = arith.constant 0 : i32
      %dma_wait3A_90 = arith.constant 0 : i32
      %dma_wait3A_91 = tpu.memref_slice %arg4[%add3A, %run_scoped3A_40, %dma_wait3A_89, %dma_wait3A_90] : memref<32x2x40x128xi32, #tpu.memory_space<hbm>> -> memref<1x1x40x128xi32, #tpu.memory_space<hbm>>
      %dma_wait3A_92 = tpu.memref_squeeze %dma_wait3A_91 : memref<1x1x40x128xi32, #tpu.memory_space<hbm>> -> memref<40x128xi32, #tpu.memory_space<hbm>>
      tpu.wait_dma2 semaphore(%run_scoped3A_76 : memref<!tpu.dma_semaphore, #tpu.memory_space<semaphore_mem>>) src(%dma_wait3A_92 : memref<40x128xi32, #tpu.memory_space<hbm>>) dst(%arg8 : memref<40x128xi32, #tpu.memory_space<vmem>>)
      tpu.yield
    }) : () -> ()
    %dma_start3A_41 = arith.constant 0 : i32
    %dma_start3A_42 = arith.constant 0 : i32
    %dma_start3A_43 = tpu.memref_slice %arg7[%dma_start3A_41, %dma_start3A_42] : memref<40x128xi32, #tpu.memory_space<vmem>> -> memref<1x128xi32, #tpu.memory_space<vmem>>
    %dma_start3A_44 = tpu.memref_squeeze %dma_start3A_43 : memref<1x128xi32, #tpu.memory_space<vmem>> -> memref<128xi32, #tpu.memory_space<vmem>>
    %dma_start3A_45 = arith.constant 0 : i32
    %dma_start3A_46 = arith.constant 0 : i32
    %dma_start3A_47 = tpu.memref_slice %arg2[%dma_start3A_45, %dma_start3A_46] : memref<10000x128xf32, #tpu.memory_space<hbm>> -> memref<10000x128xf32, #tpu.memory_space<hbm>>
    tpu.enqueue_indirect_dma source(%dma_start3A_47 : memref<10000x128xf32, #tpu.memory_space<hbm>>) target(%arg9 : memref<128x128xf32, #tpu.memory_space<vmem>>) offsets(%dma_start3A_44 : memref<128xi32, #tpu.memory_space<vmem>>) semaphore(%arg12 : memref<!tpu.dma_semaphore, #tpu.memory_space<semaphore_mem>>)
    %dma_start3A_48 = arith.constant 1 : i32
    %dma_start3A_49 = arith.constant 0 : i32
    %dma_start3A_50 = tpu.memref_slice %arg7[%dma_start3A_48, %dma_start3A_49] : memref<40x128xi32, #tpu.memory_space<vmem>> -> memref<1x128xi32, #tpu.memory_space<vmem>>
    %dma_start3A_51 = tpu.memref_squeeze %dma_start3A_50 : memref<1x128xi32, #tpu.memory_space<vmem>> -> memref<128xi32, #tpu.memory_space<vmem>>
    %dma_start3A_52 = arith.constant 0 : i32
    %dma_start3A_53 = arith.constant 0 : i32
    %dma_start3A_54 = tpu.memref_slice %arg2[%dma_start3A_52, %dma_start3A_53] : memref<10000x128xf32, #tpu.memory_space<hbm>> -> memref<10000x128xf32, #tpu.memory_space<hbm>>
    tpu.enqueue_indirect_dma source(%dma_start3A_54 : memref<10000x128xf32, #tpu.memory_space<hbm>>) target(%arg10 : memref<128x128xf32, #tpu.memory_space<vmem>>) offsets(%dma_start3A_51 : memref<128xi32, #tpu.memory_space<vmem>>) semaphore(%arg13 : memref<!tpu.dma_semaphore, #tpu.memory_space<semaphore_mem>>)
    %scan3A_55 = arith.constant 0 : i32
    %scan3A_56 = arith.constant 0 : i32
    %scan3A_57 = arith.constant 20 : i32
    %scan3A_58 = arith.addi %scan3A_56, %scan3A_57 : i32
    %scan3A_59 = arith.constant 1 : i32
    scf.for %scan3A_76 = %scan3A_56 to %scan3A_58 step %scan3A_59  : i32 {
      %mul3A_77 = arith.constant 2 : i32
      %mul3A_78 = arith.muli %mul3A_77, %scan3A_76 : i32
      %mul3A_79 = arith.constant 2 : i32
      %mul3A_80 = arith.muli %mul3A_79, %scan3A_76 : i32
      %add3A_81 = arith.constant 1 : i32
      %add3A_82 = arith.addi %mul3A_80, %add3A_81 : i32
      %dma_wait3A_83 = arith.constant 0 : i32
      %dma_wait3A_84 = tpu.memref_slice %arg7[%mul3A_78, %dma_wait3A_83] : memref<40x128xi32, #tpu.memory_space<vmem>> -> memref<1x128xi32, #tpu.memory_space<vmem>>
      %dma_wait3A_85 = tpu.memref_squeeze %dma_wait3A_84 : memref<1x128xi32, #tpu.memory_space<vmem>> -> memref<128xi32, #tpu.memory_space<vmem>>
      %dma_wait3A_86 = arith.constant 0 : i32
      %dma_wait3A_87 = arith.constant 0 : i32
      %dma_wait3A_88 = tpu.memref_slice %arg2[%dma_wait3A_86, %dma_wait3A_87] : memref<10000x128xf32, #tpu.memory_space<hbm>> -> memref<10000x128xf32, #tpu.memory_space<hbm>>
      tpu.wait_indirect_dma semaphore(%arg12 : memref<!tpu.dma_semaphore, #tpu.memory_space<semaphore_mem>>) src(%dma_wait3A_88 : memref<10000x128xf32, #tpu.memory_space<hbm>>) dst(%arg9 : memref<128x128xf32, #tpu.memory_space<vmem>>)
      %dma_start3A_89 = arith.constant 0 : i32
      %dma_start3A_90 = tpu.memref_slice %arg8[%mul3A_78, %dma_start3A_89] : memref<40x128xi32, #tpu.memory_space<vmem>> -> memref<1x128xi32, #tpu.memory_space<vmem>>
      %dma_start3A_91 = tpu.memref_squeeze %dma_start3A_90 : memref<1x128xi32, #tpu.memory_space<vmem>> -> memref<128xi32, #tpu.memory_space<vmem>>
      %dma_start3A_92 = arith.constant 0 : i32
      %dma_start3A_93 = arith.constant 0 : i32
      %dma_start3A_94 = tpu.memref_slice %arg11[%dma_start3A_92, %dma_start3A_93] : memref<10112x128xf32, #tpu.memory_space<vmem_shared>> -> memref<10112x128xf32, #tpu.memory_space<vmem_shared>>
      tpu.enqueue_indirect_dma source(%arg9 : memref<128x128xf32, #tpu.memory_space<vmem>>) target(%dma_start3A_94 : memref<10112x128xf32, #tpu.memory_space<vmem_shared>>) offsets(%dma_start3A_91 : memref<128xi32, #tpu.memory_space<vmem>>) semaphore(%arg14 : memref<!tpu.dma_semaphore, #tpu.memory_space<semaphore_mem>>) {add = true}
      %dma_wait3A_95 = arith.constant 0 : i32
      %dma_wait3A_96 = tpu.memref_slice %arg7[%add3A_82, %dma_wait3A_95] : memref<40x128xi32, #tpu.memory_space<vmem>> -> memref<1x128xi32, #tpu.memory_space<vmem>>
      %dma_wait3A_97 = tpu.memref_squeeze %dma_wait3A_96 : memref<1x128xi32, #tpu.memory_space<vmem>> -> memref<128xi32, #tpu.memory_space<vmem>>
      %dma_wait3A_98 = arith.constant 0 : i32
      %dma_wait3A_99 = arith.constant 0 : i32
      %dma_wait3A_100 = tpu.memref_slice %arg2[%dma_wait3A_98, %dma_wait3A_99] : memref<10000x128xf32, #tpu.memory_space<hbm>> -> memref<10000x128xf32, #tpu.memory_space<hbm>>
      tpu.wait_indirect_dma semaphore(%arg13 : memref<!tpu.dma_semaphore, #tpu.memory_space<semaphore_mem>>) src(%dma_wait3A_100 : memref<10000x128xf32, #tpu.memory_space<hbm>>) dst(%arg10 : memref<128x128xf32, #tpu.memory_space<vmem>>)
      %dma_start3A_101 = arith.constant 0 : i32
      %dma_start3A_102 = tpu.memref_slice %arg8[%add3A_82, %dma_start3A_101] : memref<40x128xi32, #tpu.memory_space<vmem>> -> memref<1x128xi32, #tpu.memory_space<vmem>>
      %dma_start3A_103 = tpu.memref_squeeze %dma_start3A_102 : memref<1x128xi32, #tpu.memory_space<vmem>> -> memref<128xi32, #tpu.memory_space<vmem>>
      %dma_start3A_104 = arith.constant 0 : i32
      %dma_start3A_105 = arith.constant 0 : i32
      %dma_start3A_106 = tpu.memref_slice %arg11[%dma_start3A_104, %dma_start3A_105] : memref<10112x128xf32, #tpu.memory_space<vmem_shared>> -> memref<10112x128xf32, #tpu.memory_space<vmem_shared>>
      tpu.enqueue_indirect_dma source(%arg10 : memref<128x128xf32, #tpu.memory_space<vmem>>) target(%dma_start3A_106 : memref<10112x128xf32, #tpu.memory_space<vmem_shared>>) offsets(%dma_start3A_103 : memref<128xi32, #tpu.memory_space<vmem>>) semaphore(%arg15 : memref<!tpu.dma_semaphore, #tpu.memory_space<semaphore_mem>>) {add = true}
      %add3A_107 = arith.constant 2 : i32
      %add3A_108 = arith.addi %mul3A_78, %add3A_107 : i32
      %min3A = arith.constant 39 : i32
      %min3A_109 = arith.minsi %add3A_108, %min3A : i32
      %add3A_110 = arith.constant 2 : i32
      %add3A_111 = arith.addi %add3A_82, %add3A_110 : i32
      %min3A_112 = arith.constant 39 : i32
      %min3A_113 = arith.minsi %add3A_111, %min3A_112 : i32
      %dma_wait3A_114 = arith.constant 0 : i32
      %dma_wait3A_115 = tpu.memref_slice %arg8[%mul3A_78, %dma_wait3A_114] : memref<40x128xi32, #tpu.memory_space<vmem>> -> memref<1x128xi32, #tpu.memory_space<vmem>>
      %dma_wait3A_116 = tpu.memref_squeeze %dma_wait3A_115 : memref<1x128xi32, #tpu.memory_space<vmem>> -> memref<128xi32, #tpu.memory_space<vmem>>
      %dma_wait3A_117 = arith.constant 0 : i32
      %dma_wait3A_118 = arith.constant 0 : i32
      %dma_wait3A_119 = tpu.memref_slice %arg11[%dma_wait3A_117, %dma_wait3A_118] : memref<10112x128xf32, #tpu.memory_space<vmem_shared>> -> memref<10112x128xf32, #tpu.memory_space<vmem_shared>>
      tpu.wait_indirect_dma semaphore(%arg14 : memref<!tpu.dma_semaphore, #tpu.memory_space<semaphore_mem>>) src(%arg9 : memref<128x128xf32, #tpu.memory_space<vmem>>) dst(%dma_wait3A_119 : memref<10112x128xf32, #tpu.memory_space<vmem_shared>>)
      %dma_start3A_120 = arith.constant 0 : i32
      %dma_start3A_121 = tpu.memref_slice %arg7[%min3A_109, %dma_start3A_120] : memref<40x128xi32, #tpu.memory_space<vmem>> -> memref<1x128xi32, #tpu.memory_space<vmem>>
      %dma_start3A_122 = tpu.memref_squeeze %dma_start3A_121 : memref<1x128xi32, #tpu.memory_space<vmem>> -> memref<128xi32, #tpu.memory_space<vmem>>
      %dma_start3A_123 = arith.constant 0 : i32
      %dma_start3A_124 = arith.constant 0 : i32
      %dma_start3A_125 = tpu.memref_slice %arg2[%dma_start3A_123, %dma_start3A_124] : memref<10000x128xf32, #tpu.memory_space<hbm>> -> memref<10000x128xf32, #tpu.memory_space<hbm>>
      tpu.enqueue_indirect_dma source(%dma_start3A_125 : memref<10000x128xf32, #tpu.memory_space<hbm>>) target(%arg9 : memref<128x128xf32, #tpu.memory_space<vmem>>) offsets(%dma_start3A_122 : memref<128xi32, #tpu.memory_space<vmem>>) semaphore(%arg12 : memref<!tpu.dma_semaphore, #tpu.memory_space<semaphore_mem>>)
      %dma_wait3A_126 = arith.constant 0 : i32
      %dma_wait3A_127 = tpu.memref_slice %arg8[%add3A_82, %dma_wait3A_126] : memref<40x128xi32, #tpu.memory_space<vmem>> -> memref<1x128xi32, #tpu.memory_space<vmem>>
      %dma_wait3A_128 = tpu.memref_squeeze %dma_wait3A_127 : memref<1x128xi32, #tpu.memory_space<vmem>> -> memref<128xi32, #tpu.memory_space<vmem>>
      %dma_wait3A_129 = arith.constant 0 : i32
      %dma_wait3A_130 = arith.constant 0 : i32
      %dma_wait3A_131 = tpu.memref_slice %arg11[%dma_wait3A_129, %dma_wait3A_130] : memref<10112x128xf32, #tpu.memory_space<vmem_shared>> -> memref<10112x128xf32, #tpu.memory_space<vmem_shared>>
      tpu.wait_indirect_dma semaphore(%arg15 : memref<!tpu.dma_semaphore, #tpu.memory_space<semaphore_mem>>) src(%arg10 : memref<128x128xf32, #tpu.memory_space<vmem>>) dst(%dma_wait3A_131 : memref<10112x128xf32, #tpu.memory_space<vmem_shared>>)
      %dma_start3A_132 = arith.constant 0 : i32
      %dma_start3A_133 = tpu.memref_slice %arg7[%min3A_113, %dma_start3A_132] : memref<40x128xi32, #tpu.memory_space<vmem>> -> memref<1x128xi32, #tpu.memory_space<vmem>>
      %dma_start3A_134 = tpu.memref_squeeze %dma_start3A_133 : memref<1x128xi32, #tpu.memory_space<vmem>> -> memref<128xi32, #tpu.memory_space<vmem>>
      %dma_start3A_135 = arith.constant 0 : i32
      %dma_start3A_136 = arith.constant 0 : i32
      %dma_start3A_137 = tpu.memref_slice %arg2[%dma_start3A_135, %dma_start3A_136] : memref<10000x128xf32, #tpu.memory_space<hbm>> -> memref<10000x128xf32, #tpu.memory_space<hbm>>
      tpu.enqueue_indirect_dma source(%dma_start3A_137 : memref<10000x128xf32, #tpu.memory_space<hbm>>) target(%arg10 : memref<128x128xf32, #tpu.memory_space<vmem>>) offsets(%dma_start3A_134 : memref<128xi32, #tpu.memory_space<vmem>>) semaphore(%arg13 : memref<!tpu.dma_semaphore, #tpu.memory_space<semaphore_mem>>)
    }
    %scan3A_60 = arith.constant 20 : i32
    %dma_wait3A_61 = arith.constant 39 : i32
    %dma_wait3A_62 = arith.constant 0 : i32
    %dma_wait3A_63 = tpu.memref_slice %arg7[%dma_wait3A_61, %dma_wait3A_62] : memref<40x128xi32, #tpu.memory_space<vmem>> -> memref<1x128xi32, #tpu.memory_space<vmem>>
    %dma_wait3A_64 = tpu.memref_squeeze %dma_wait3A_63 : memref<1x128xi32, #tpu.memory_space<vmem>> -> memref<128xi32, #tpu.memory_space<vmem>>
    %dma_wait3A_65 = arith.constant 0 : i32
    %dma_wait3A_66 = arith.constant 0 : i32
    %dma_wait3A_67 = tpu.memref_slice %arg2[%dma_wait3A_65, %dma_wait3A_66] : memref<10000x128xf32, #tpu.memory_space<hbm>> -> memref<10000x128xf32, #tpu.memory_space<hbm>>
    tpu.wait_indirect_dma semaphore(%arg12 : memref<!tpu.dma_semaphore, #tpu.memory_space<semaphore_mem>>) src(%dma_wait3A_67 : memref<10000x128xf32, #tpu.memory_space<hbm>>) dst(%arg9 : memref<128x128xf32, #tpu.memory_space<vmem>>)
    %dma_wait3A_68 = arith.constant 39 : i32
    %dma_wait3A_69 = arith.constant 0 : i32
    %dma_wait3A_70 = tpu.memref_slice %arg7[%dma_wait3A_68, %dma_wait3A_69] : memref<40x128xi32, #tpu.memory_space<vmem>> -> memref<1x128xi32, #tpu.memory_space<vmem>>
    %dma_wait3A_71 = tpu.memref_squeeze %dma_wait3A_70 : memref<1x128xi32, #tpu.memory_space<vmem>> -> memref<128xi32, #tpu.memory_space<vmem>>
    %dma_wait3A_72 = arith.constant 0 : i32
    %dma_wait3A_73 = arith.constant 0 : i32
    %dma_wait3A_74 = tpu.memref_slice %arg2[%dma_wait3A_72, %dma_wait3A_73] : memref<10000x128xf32, #tpu.memory_space<hbm>> -> memref<10000x128xf32, #tpu.memory_space<hbm>>
    tpu.wait_indirect_dma semaphore(%arg13 : memref<!tpu.dma_semaphore, #tpu.memory_space<semaphore_mem>>) src(%dma_wait3A_74 : memref<10000x128xf32, #tpu.memory_space<hbm>>) dst(%arg10 : memref<128x128xf32, #tpu.memory_space<vmem>>)
    %barrier3A_75 = arith.constant 0 : index
    tpu.barrier barrier_id(%barrier3A_75)
    "tpu.region"() ({
      %run_scoped3A_76 = tpu.sem_alloc : memref<!tpu.dma_semaphore, #tpu.memory_space<semaphore_mem>>
      %dma_start3A_77 = arith.constant 0 : i32
      %dma_start3A_78 = tpu.memref_slice %arg6[%arg0, %mul3A_2, %dma_start3A_77] : memref<2x10112x128xf32, #tpu.memory_space<hbm>> -> memref<1x632x128xf32, #tpu.memory_space<hbm>>
      %dma_start3A_79 = tpu.memref_squeeze %dma_start3A_78 : memref<1x632x128xf32, #tpu.memory_space<hbm>> -> memref<632x128xf32, #tpu.memory_space<hbm>>
      %dma_start3A_80 = arith.constant 0 : i32
      %dma_start3A_81 = tpu.memref_slice %arg11[%mul3A_2, %dma_start3A_80] : memref<10112x128xf32, #tpu.memory_space<vmem_shared>> -> memref<632x128xf32, #tpu.memory_space<vmem_shared>>
      tpu.enqueue_dma source(%dma_start3A_81 : memref<632x128xf32, #tpu.memory_space<vmem_shared>>) target(%dma_start3A_79 : memref<632x128xf32, #tpu.memory_space<hbm>>) target_semaphore(%run_scoped3A_76 : memref<!tpu.dma_semaphore, #tpu.memory_space<semaphore_mem>>)
      %dma_wait3A_82 = arith.constant 0 : i32
      %dma_wait3A_83 = tpu.memref_slice %arg6[%arg0, %mul3A_2, %dma_wait3A_82] : memref<2x10112x128xf32, #tpu.memory_space<hbm>> -> memref<1x632x128xf32, #tpu.memory_space<hbm>>
      %dma_wait3A_84 = tpu.memref_squeeze %dma_wait3A_83 : memref<1x632x128xf32, #tpu.memory_space<hbm>> -> memref<632x128xf32, #tpu.memory_space<hbm>>
      %dma_wait3A_85 = arith.constant 0 : i32
      %dma_wait3A_86 = tpu.memref_slice %arg11[%mul3A_2, %dma_wait3A_85] : memref<10112x128xf32, #tpu.memory_space<vmem_shared>> -> memref<632x128xf32, #tpu.memory_space<vmem_shared>>
      tpu.wait_dma2 semaphore(%run_scoped3A_76 : memref<!tpu.dma_semaphore, #tpu.memory_space<semaphore_mem>>) src(%dma_wait3A_86 : memref<632x128xf32, #tpu.memory_space<vmem_shared>>) dst(%dma_wait3A_84 : memref<632x128xf32, #tpu.memory_space<hbm>>)
      tpu.yield
    }) : () -> ()
    return
  }
}

module attributes {stable_mosaic.version = 14 : i64} {
  func.func @_tc_body(%arg0: i32, %arg1: memref<2x1000x128xf32, #tpu.memory_space<vmem>>, %arg2: memref<128x128xf32, #tpu.memory_space<vmem>>, %arg3: memref<1x128xf32, #tpu.memory_space<vmem>>, %arg4: memref<1000x128xf32, #tpu.memory_space<vmem>>) attributes {dimension_semantics = [#tpu.dimension_semantics<arbitrary>], iteration_bounds = array<i64: 10>, scalar_prefetch = 0 : i64, scratch_operands = 0 : i64, tpu.core_type = #tpu.core_type<tc>, window_params = [{transform_indices = @transform_0, window_bounds = array<i64: 2, 1000, 128>}, {pipeline_mode = #tpu.pipeline_mode<synchronous>, transform_indices = @transform_1, window_bounds = array<i64: 128, 128>}, {pipeline_mode = #tpu.pipeline_mode<synchronous>, transform_indices = @transform_2, window_bounds = array<i64: 1, 128>}, {transform_indices = @transform_3, window_bounds = array<i64: 1000, 128>}]} {
    %get3A = arith.constant 0 : index
    %get3A_0 = arith.constant 0 : index
    %get3A_1 = arith.constant 0 : index
    %get3A_2 = vector.load %arg1[%get3A, %get3A_0, %get3A_1] : memref<2x1000x128xf32, #tpu.memory_space<vmem>>, vector<1x1000x128xf32>
    %get3A_3 = vector.shape_cast %get3A_2 : vector<1x1000x128xf32> to vector<1000x128xf32>
    %get3A_4 = arith.constant 1 : index
    %get3A_5 = arith.constant 0 : index
    %get3A_6 = arith.constant 0 : index
    %get3A_7 = vector.load %arg1[%get3A_4, %get3A_5, %get3A_6] : memref<2x1000x128xf32, #tpu.memory_space<vmem>>, vector<1x1000x128xf32>
    %get3A_8 = vector.shape_cast %get3A_7 : vector<1x1000x128xf32> to vector<1000x128xf32>
    %add3A = arith.addf %get3A_3, %get3A_8 : vector<1000x128xf32>
    %get3A_9 = arith.constant 0 : index
    %get3A_10 = arith.constant 0 : index
    %get3A_11 = vector.load %arg2[%get3A_9, %get3A_10] : memref<128x128xf32, #tpu.memory_space<vmem>>, vector<128x128xf32>
    %dot_general3A = arith.constant dense<0.000000e+00> : vector<1000x128xf32>
    %dot_general3A_12 = tpu.matmul %add3A, %get3A_11, %dot_general3A {dimension_numbers = #tpu.dot_dimension_numbers<[1], [0], [0], [1], [0, 0, 1, 1], [], []>, transpose_lhs_hint = false} : vector<1000x128xf32>, vector<128x128xf32>, vector<1000x128xf32> -> vector<1000x128xf32>
    %get3A_13 = arith.constant 0 : index
    %get3A_14 = arith.constant 0 : index
    %get3A_15 = vector.load %arg3[%get3A_13, %get3A_14] : memref<1x128xf32, #tpu.memory_space<vmem>>, vector<1x128xf32>
    %add3A_16 = vector.broadcast %get3A_15 : vector<1x128xf32> to vector<1000x128xf32>
    %add3A_17 = arith.addf %dot_general3A_12, %add3A_16 : vector<1000x128xf32>
    %swap3A = arith.constant 0 : index
    %swap3A_18 = arith.constant 0 : index
    %swap3A_19 = vector.load %arg4[%swap3A, %swap3A_18] : memref<1000x128xf32, #tpu.memory_space<vmem>>, vector<1000x128xf32>
    tpu.vector_store %arg4[%swap3A, %swap3A_18], %add3A_17 {strides = array<i32>} : memref<1000x128xf32, #tpu.memory_space<vmem>>, vector<1000x128xf32>,
    return
  }
  func.func @transform_0(%arg0: i32) -> (i32, i32, i32) {
    %c0_i32 = arith.constant 0 : i32
    %c0_i32_0 = arith.constant 0 : i32
    %c0_i32_1 = arith.constant 0 : i32
    return %c0_i32, %arg0, %c0_i32_0 : i32, i32, i32
  }
  func.func @transform_1(%arg0: i32) -> (i32, i32) {
    %c0_i32 = arith.constant 0 : i32
    %c0_i32_0 = arith.constant 0 : i32
    %c0_i32_1 = arith.constant 0 : i32
    return %c0_i32, %c0_i32_0 : i32, i32
  }
  func.func @transform_2(%arg0: i32) -> (i32, i32) {
    %c0_i32 = arith.constant 0 : i32
    %c0_i32_0 = arith.constant 0 : i32
    %c0_i32_1 = arith.constant 0 : i32
    return %c0_i32, %c0_i32_0 : i32, i32
  }
  func.func @transform_3(%arg0: i32) -> (i32, i32) {
    %c0_i32 = arith.constant 0 : i32
    %c0_i32_0 = arith.constant 0 : i32
    return %arg0, %c0_i32 : i32, i32
  }
}

</mosaic_0001>

<sc_bundles>
// kernel: kernel.4.cloned.1.call-start
scs
__scs_entry_jumppad:
0x0: {  	(pc) =	sbr.rel $0x88, $3  }
0x1: {  	(tag) =	ssettag $0x0;
	lr =	simm.s32 $0x1  }
0x2: {  	[smem:$0x3F9D] =	sst lr;
	_ =	strace $0xD0000000  }
0x3: {  	_ = 	snop  }
0x4: {  	_ = 	snop  }
0x5: {  	_ = 	snop  }
0x6: {  	_ = 	snop  }
0x7: {  	_ = 	snop  }
__scs_overlays_trampoline_lowered:
0x8: {  	[smem:$0x3FAC] =	sst s0  }
0x9: {  	[smem:$0x3FAD] =	sst s1  }
0xa: {  	[smem:$0x3FAE] =	sst s2  }
0xb: {  	[smem:$0x3FAF] =	sst s3  }
0xc: {  	[smem:$0x3FB0] =	sst s4  }
0xd: {  	[smem:$0x3FB1] =	sst s5  }
0xe: {  	[smem:$0x3FB2] =	sst s6  }
0xf: {  	[smem:$0x3FB3] =	sst s7  }
0x10: {  	[smem:$0x3FB4] =	sst s8  }
0x11: {  	[smem:$0x3FB5] =	sst s9;
	s0 =	simm.s32 @!p0 $0x0  }
0x12: {  	s1 =	sld [smem:$0x3F9B];
	s0 =	simm.s32 @p0 $0x1  }
0x13: {  	[smem:$0x3FB6] =	sst s0;
	s0 =	simm.s32 @!p1 $0x0  }
0x14: {  	s2 =	sld [smem:$0x3F9A];
	s0 =	simm.s32 @p1 $0x1  }
0x15: {  	[smem:$0x3FB7] =	sst s0;
	s0 =	simm.s32 @!p2 $0x0  }
0x16: {  	s3 =	sld [smem:$0x3FDB];
	s0 =	simm.s32 @p2 $0x1  }
0x17: {  	s4 =	simm.s32 $0x1BF5;
	[smem:$0x3FB9] =	sst s0  }
0x18: {  	s0 =	sld [smem:$0x3F9C];
	_ =	swait.ge [sflag:s4], $0x0  }
0x19: {  	s7 =	sld [smem:$0x3F9D]  }
0x1a: {  	s8 =	sadd.s32 $0xFFFFE003, lr  }
0x1b: {  	s9 =	sadd.s32 $0xFFFFFEF7, lr;
	s5 =	simm.s32 $0xFFFFFFFF;
	p2 =	slt.u32 s8, $0xFFFFF086  }
0x1c: {  	p1 =	slt.u32 s9, $0xF7A;
	s5 =	simm.s32 @!p2 $0x0  }
0x1d: {  	s5 =	simm.s32 @p1 $0x1;
	p0 =	seq.s32 s7, s2  }
0x1e: {  	s7 =	smul.u32 @!p0 $0xF7A, s2;
	p2 =	seq.s32 @!p0 s5, $0x0  }
0x1f: {  	s9 =	smul.u32 $0xF7A, s1;
	s8 =	simm.s32 @!p0 $0x1BF5;
	p2 =	por !p2, p0  }
0x20: {  	[sflag:s8] =	ssyncset.s32 @!p0 $0xFFFFF086;
	s6 =	sadd.s32 @!p0 s3, s7;
	s7 =	simm.s32 @!p0 $0x108  }
0x21: {  	s3 =	sadd.s32 s3, s9;
	s6 =	sadd.s32 @!p0 $0x88, s6;
	s7 =	simm.s32 @p2 $0x1082  }
0x22: {  	[simem:s7], [sflag:s8] =	dma.local @!p0 [hbm:s6], $0xF7A  }
0x23: {  	s9 =	sor.u32 $0xD0000000, s2;
	s6 =	simm.s32 $0x108;
	_ =	swait.ge @!p0 [sflag:s8], $0x0  }
0x24: {  	s3 =	sadd.s32 $0x88, s3;
	s6 =	simm.s32 @!p1 $0x1082;
	[sflag:s4] =	ssyncset.s32 $0xFFFFF086  }
0x25: {  	[simem:s6], [sflag:s4] =	dma.local [hbm:s3], $0xF7A  }
0x26: {  	[smem:$0x3F9D] =	sst s1;
	(tag) =	ssettag s2;
	_ =	strace s9  }
0x27: {  	s1 =	sld [smem:$0x3FAD]  }
0x28: {  	s2 =	sld [smem:$0x3FAE]  }
0x29: {  	s4 =	sld [smem:$0x3FB0]  }
0x2a: {  	p0 =	seq.s32 s5, $0x0;
	s5 =	sld [smem:$0x3FB1]  }
0x2b: {  	s6 =	sld [smem:$0x3FB2]  }
0x2c: {  	s7 =	sld [smem:$0x3FB3]  }
0x2d: {  	s3 =	simm.s32 $0x108;
	s8 =	sld [smem:$0x3FB4]  }
0x2e: {  	s3 =	simm.s32 @!p0 $0x1082;
	s9 =	sld [smem:$0x3FB5]  }
0x2f: {  	lr =	sadd.s32 s0, s3;
	s0 =	sld [smem:$0x3FAC]  }
0x30: {  	s3 =	sld [smem:$0x3FAF]  }
0x31: {  	[smem:$0x3FB8] =	sst s10  }
0x32: {  	s10 =	sld [smem:$0x3FB6];
	_ =	sdelay $0x3  }
0x33: {  	p0 =	seq.s32 s10, $0x1;
	s10 =	sld [smem:$0x3FB8];
	_ =	sdelay $0x3  }
0x34: {  	[smem:$0x3FB8] =	sst s10  }
0x35: {  	s10 =	sld [smem:$0x3FB7];
	_ =	sdelay $0x3  }
0x36: {  	p1 =	seq.s32 s10, $0x1;
	s10 =	sld [smem:$0x3FB8];
	_ =	sdelay $0x3  }
0x37: {  	[smem:$0x3FB8] =	sst s10  }
0x38: {  	s10 =	sld [smem:$0x3FB9]  }
0x39: {  	_ = 	snop;
	(pc) =	sbr.ind lr, $3  }
0x3a: {  	_ = 	snop  }
0x3b: {  	_ = 	snop  }
0x3c: {  	p2 =	seq.s32 s10, $0x1;
	s10 =	sld [smem:$0x3FB8]  }
0x3d: {  	_ =	shalt  }
0x3e: {  	_ =	shalt  }
0x3f: {  	_ =	shalt  }
0x40: {  	_ =	shalt  }
0x41: {  	_ =	shalt  }
0x42: {  	_ =	shalt  }
0x43: {  	_ =	shalt  }
0x44: {  	_ =	shalt  }
0x45: {  	_ =	shalt  }
0x46: {  	_ =	shalt  }
0x47: {  	_ =	shalt  }
0x48: {  	_ =	shalt  }
0x49: {  	_ =	shalt  }
0x4a: {  	_ =	shalt  }
0x4b: {  	_ =	shalt  }
0x4c: {  	_ =	shalt  }
0x4d: {  	_ =	shalt  }
0x4e: {  	_ =	shalt  }
0x4f: {  	_ =	shalt  }
0x50: {  	_ =	shalt  }
0x51: {  	_ =	shalt  }
0x52: {  	_ =	shalt  }
0x53: {  	_ =	shalt  }
0x54: {  	_ =	shalt  }
0x55: {  	_ =	shalt  }
0x56: {  	_ =	shalt  }
0x57: {  	_ =	shalt  }
0x58: {  	_ =	shalt  }
0x59: {  	_ =	shalt  }
0x5a: {  	_ =	shalt  }
0x5b: {  	_ =	shalt  }
0x5c: {  	_ =	shalt  }
0x5d: {  	_ =	shalt  }
0x5e: {  	_ =	shalt  }
0x5f: {  	_ =	shalt  }
0x60: {  	_ =	shalt  }
0x61: {  	_ =	shalt  }
0x62: {  	_ =	shalt  }
0x63: {  	_ =	shalt  }
0x64: {  	_ =	shalt  }
0x65: {  	_ =	shalt  }
0x66: {  	_ =	shalt  }
0x67: {  	_ =	shalt  }
0x68: {  	_ =	shalt  }
0x69: {  	_ =	shalt  }
0x6a: {  	_ =	shalt  }
0x6b: {  	_ =	shalt  }
0x6c: {  	_ =	shalt  }
0x6d: {  	_ =	shalt  }
0x6e: {  	_ =	shalt  }
0x6f: {  	_ =	shalt  }
0x70: {  	_ =	shalt  }
0x71: {  	_ =	shalt  }
0x72: {  	_ =	shalt  }
0x73: {  	_ =	shalt  }
0x74: {  	_ =	shalt  }
0x75: {  	_ =	shalt  }
0x76: {  	_ =	shalt  }
0x77: {  	_ =	shalt  }
0x78: {  	_ =	shalt  }
0x79: {  	_ =	shalt  }
0x7a: {  	_ =	shalt  }
0x7b: {  	_ =	shalt  }
0x7c: {  	_ =	shalt  }
0x7d: {  	_ =	shalt  }
0x7e: {  	_ =	shalt  }
0x7f: {  	_ =	shalt  }
0x80: {  	_ =	shalt  }
0x81: {  	_ =	shalt  }
0x82: {  	_ =	shalt  }
0x83: {  	_ =	shalt  }
0x84: {  	_ =	shalt  }
0x85: {  	_ =	shalt  }
0x86: {  	_ =	shalt  }
0x87: {  	_ =	shalt  }
.Lfunc_end0:
.L_simem_size_0:
called_computation_lowered:
.L_overlay_start_0:
0x88: {  	s2 =	sld [smem:$0x3FD9]  }
0x89: {  	s3 =	sld [smem:$0x3FFE];
	_ =	sdelay $0x1  }
0x8a: {  	s1 =	srdreg.scid  }
0x8b: {  	s0 =	sand.u32 $0x1, s1  }
0x8c: {  	s17 =	sshll.u32 s0, $0xA;
	s2 =	sadd.s32 s3, s2  }
0x8d: {  	s2 =	sadd.s32 s2, s17  }
0x8e: {  	[smem:$0x3FC4] =	sst s2  }
0x8f: {  	_ = 	snop  }
0x90: {  	s2 =	sld [smem:$0x3FC9]  }
0x91: {  	s18 =	sld [smem:$0x3FD0];
	(tm) =	ssettm $0x1  }
0x92: {  	s4 =	sld [smem:$0x3FFB];
	_ =	sdelay $0x3  }
0x93: {  	_ =	strace s4  }
0x94: {  	s4 =	sld [smem:$0x3FFC];
	_ =	sdelay $0x3  }
0x95: {  	_ =	strace s4  }
0x96: {  	s4 =	sld [smem:$0x3FFD];
	_ =	sdelay $0x3  }
0x97: {  	_ =	strace s4  }
0x98: {  	_ =	strace $0x8FFFFFFF  }
0x99: {  	s19 =	sld [smem:$0x3FDB];
	_ =	sdelay $0x1  }
0x9a: {  	s5 =	simm.s32 $_scs_section_size  }
0x9b: {  	s6 =	simm.s32 $_size__tile_overlayer_lowered;
	s7 =	simm.s32 $_tile_overlayer_lowered  }
0x9c: {  	s22 =	simm.s32 $0x1BFF;
	s21 =	sshll.u32 s7, $0x1;
	s4 =	sadd.s32 s5, s19  }
0x9d: {  	s8 =	simm.s32 $0x0;
	s20 =	sshll.u32 s6, $0x1;
	s6 =	sadd.s32 s21, s4  }
0x9e: {  	[timem:s8], [sflag:s22] =	dma.local [hbm:s6], s20  }
0x9f: {  	_ =	swait.ge [sflag:s22], s20  }
0xa0: {  	s5 =	ssub.s32 $0x0, s20;
	[sflag:s22] =	ssyncset.done $0x0  }
0xa1: {  	[sflag:s22] =	ssyncadd.s32 s5;
	_ =	sdelay $0x1  }
0xa2: {  	s23 =	simm.s32 $0x1B8B  }
0xa3: {  	_ =	swait.ge [sflag:s23], $0x1  }
0xa4: {  	[sflag:s23] =	ssyncset.done $0x0  }
0xa5: {  	s25 =	simm.s32 $0x1B8E;
	s24 =	sld [smem:$0x3FFE];
	[sflag:s23] =	ssyncadd.s32 $0xFFFFFFFF  }
0xa6: {  	s26 =	simm.s32 $execute0_lowered;
	[smem:$0x3FD2] =	sst s25  }
0xa7: {  	s6 =	sshll.u32 s26, $0x1;
	_ =	strace $0x80000046;
	[dreg:$0x1] =	wrdreg $0xFFFFFFFF  }
0xa8: {  	s28 =	simm.s32 $_size_execute0_lowered;
	s4 =	sadd.s32 s4, s6;
	[dreg:$0x0] =	wrdreg $0x0  }
0xa9: {  	s6 =	sshll.u32 s28, $0x1;
	[dreg:$0x2] =	wrdreg s4  }
0xaa: {  	[dreg:$0x3] =	wrdreg s6  }
0xab: {  	[dreg:$0x4] =	wrdreg $0xC0  }
0xac: {  	_ =	task [dreg:s8], $0x5FFFF  }
0xad: {  	[dreg:$0x1] =	wrdreg $0xFFFFFFFF  }
0xae: {  	[dreg:$0x0] =	wrdreg $0x60  }
0xaf: {  	[dreg:$0x2] =	wrdreg s2  }
0xb0: {  	[dreg:$0x3] =	wrdreg s18  }
0xb1: {  	[dreg:$0x4] =	wrdreg s24  }
0xb2: {  	[dreg:$0x5] =	wrdreg $0xA8000  }
0xb3: {  	[dreg:$0x6] =	wrdreg $0x9  }
0xb4: {  	_ =	task.clear_ibuf [dreg:s8], $0x7FFFF;
	_ =	strace $0x90000046  }
0xb5: {  	s29 =	simm.s32 $0x9;
	_ =	strace $0x80000048  }
0xb6: {  	_ =	swait.ge [sflag:s29], $0x1  }
0xb7: {  	[sflag:s29] =	ssyncadd.s32 $0xFFFFFFFF  }
0xb8: {  	_ =	strace $0x90000048  }
0xb9: {  	_ =	sfence  }
0xba: {  	s30 =	sld [smem:$0x0];
	_ =	sdelay $0x2  }
0xbb: {  	s31 =	sshll.u32 s1, $0xD;
	s1 =	sshrl.u32 s1, $0x2  }
0xbc: {  	s3 =	sand.u32 $0x4000, s31;
	s1 =	sadd.s32 s1, s30  }
0xbd: {  	s0 =	sor.u32 s3, s0;
	s1 =	sshll.u32 s1, $0x11  }
0xbe: {  	s0 =	sor.u32 s1, s0  }
0xbf: {  	s0 =	sadd.s32 $0x8F2B, s0  }
0xc0: {  	[sflag:s0] =	ssyncadd.remote.s32 $0x1  }
0xc1: {  	_ =	sfence.sel $0xFFFF  }
0xc2: {  	[dreg:$0x0] =	wrdreg $0xFFFFFFFF;
	(pc) =	sbr.abs _section_cstart, $3  }
0xc3: {  	[dreg:$0x1] =	wrdreg $0xFFFFFFFF  }
0xc4: {  	_ =	task.clear_ibuf [dreg:s8], $0x2FFFF;
	_ =	strace $0x9FFFFFFF  }
0xc5: {  	(tm) =	ssettm $0x7FFFFFFF  }
tec
execute0_lowered:
.L_overlay_start_1:
0x0: {  	(tag) =	ssettag $0x1  }
0x1: {  	s1 =	rddreg [dreg:$0x0]  }
0x2: {  	s0 =	rddreg [dreg:$0x1]  }
0x3: {  	s3 =	rddreg [dreg:$0x2]  }
0x4: {  	s2 =	rddreg [dreg:$0x3];
	s4 =	srdreg.scid  }
0x5: {  	s10 =	stileid.u32;
	s15 =	simm.s32 $0x6;
	s16 =	simm.s32 $0x1400  }
0x6: {  	s17 =	simm.s32 $0x5;
	s18 =	simm.s32 $0x80;
	s19 =	simm.s32 $0x2800  }
0x7: {  	s20 =	simm.s32 $0x6800;
	s21 =	simm.s32 $0x1;
	s22 =	simm.s32 $0x2  }
0x8: {  	s28 =	simm.s32 $0x1300;
	s29 =	simm.s32 $0x1380;
	s30 =	simm.s32 $0x2700  }
0x9: {  	s31 =	simm.s32 $0x2780;
	s5 =	sand.u32 $0x1, s4;
	s7 =	smul.u32 $0x13C00, s10  }
0xa: {  	s4 =	simm.s32 $0x0;
	s11 =	sadd.s32 $0x400, s3;
	s24 =	smul.u32 $0x4F000, s10  }
0xb: {  	s23 =	sshll.u32 s10, $0x1;
	s12 =	sadd.s32 $0xA400, s3;
	s6 =	smul.u32 $0x13C000, s5  }
0xc: {  	[smem:$0x7FF] =	sst s4;
	s8 =	ssub.s32 $0x2, s5;
	s5 =	sor.u32 s5, s23  }
0xd: {  	s23 =	simm.s32 $0x3;
	_ =	strace $0x80000047;
	s9 =	sshrl.u32 s8, $0x1  }
0xe: {  	s5 =	smul.u32 $0x2800, s5;
	[dreg:$0x5] =	wrdreg s12;
	s6 =	sadd.s32 s7, s6  }
0xf: {  	s13 =	ssub.s32 s8, s9;
	s7 =	sshrl.u32 s24, $0x2;
	s24 =	simm.s32 $0x4  }
0x10: {  	s6 =	sshrl.u32 s6, $0x3;
	s5 =	sshrl.u32 s5, $0x3;
	s14 =	sadd.s32 s7, s2  }
0x11: {  	s13 =	smax.u32 s13, $0x1;
	s3 =	sadd.s32 s6, s3;
	s6 =	sshll.u32 s10, $0x6  }
0x12: {  	s26 =	sadd.s32 $0x280, s5;
	s8 =	sadd.s32 s0, s5;
	s9 =	sadd.s32 s11, s5  }
0x13: {  	s14 =	sshrl.u32 s14, $0x3;
	s25 =	sor.u32 $0x1C05, s6;
	s10 =	sadd.s32 s0, s26  }
0x14: {  	s11 =	sadd.s32 s11, s26;
	s12 =	sadd.s32 $0xCC00, s3;
	s26 =	simm.s32 $0x2680  }
0x15: {  	s0 =	simm.s32 $0x0;
	[dreg:$0x6] =	wrdreg s25;
	s25 =	simm.s32 $0x2600  }
.LBB2_1:
0x16: {  	s3 =	rddreg [dreg:$0x5]  }
0x17: {  	s5 =	rddreg [dreg:$0x6]  }
0x18: {  	[spmem:s14], [sflag:s5] =	dma.local [hbm:s3], $0x2780  }
0x19: {  	[tilespmem:s4], [sflag:$0x6] =	stream.linear.gather [hbm4b:s8+s4], $0x1400, $0x38;
	[tilespmem:$0x1E400] =	vst v63  }
0x1a: {  	_ =	swait.ge [sflag:s15], $0x1400  }
0x1b: {  	[sflag:s15] =	ssyncset.done $0x0  }
0x1c: {  	[sflag:s15] =	ssyncadd.s32 $0xFFFFEC00  }
0x1d: {  	[tilespmem:s16], [sflag:$0x6] =	stream.linear.gather [hbm4b:s9+s4], $0x1400, $0x38;
	[tilespmem:$0x1E400] =	vst v63  }
0x1e: {  	_ =	swait.ge [sflag:s15], $0x1400  }
0x1f: {  	[sflag:s15] =	ssyncset.done $0x0  }
0x20: {  	[sflag:s15] =	ssyncadd.s32 $0xFFFFEC00  }
0x21: {  	_ =	swait.ge [sflag:s17], $0x2780  }
0x22: {  	[sflag:s17] =	ssyncset.done $0x0  }
0x23: {  	[sflag:s17] =	ssyncadd.s32 $0xFFFFD880  }
0x24: {  	[bflag:$0x0] =	sbarrier.arrive $0xFFFF  }
0x25: {  	[tilespmem:s19], [sflag:$0x1] =	stream.indirect.gather [hbm4b:s1+s18], $0x80, s4, s18, $0xb8;
	[tilespmem:$0x1E400] =	vst v63  }
0x26: {  	_ = 	snop  }
0x27: {  	[tilespmem:s20], [sflag:$0x2] =	stream.indirect.gather [hbm4b:s1+s18], $0x80, s18, s18, $0xb8;
	[tilespmem:$0x1E400] =	vst v63  }
0x28: {  	_ =	swait.ge [sflag:s21], $0x4000  }
0x29: {  	[sflag:s21] =	ssyncset.done $0x0  }
0x2a: {  	s7 =	simm.s32 $0x1400;
	[sflag:s21] =	ssyncadd.s32 $0xFFFFC000  }
0x2b: {  	[spmem:s2] =	stream.indirect.scatter.add.f32 [tilespmem:s19], [sflag:$0x3], $0x80, s7, s18, $0xb8;
	[tilespmem:$0x1E400] =	vst v63  }
0x2c: {  	_ =	swait.ge [sflag:s22], $0x4000  }
0x2d: {  	[sflag:s22] =	ssyncset.done $0x0  }
0x2e: {  	s5 =	simm.s32 $0x1480;
	[sflag:s22] =	ssyncadd.s32 $0xFFFFC000  }
0x2f: {  	[spmem:s2] =	stream.indirect.scatter.add.f32 [tilespmem:s20], [sflag:$0x4], $0x80, s5, s18, $0xb8;
	[tilespmem:$0x1E400] =	vst v63  }
0x30: {  	_ =	swait.ge [sflag:s23], $0x4000  }
0x31: {  	[sflag:s23] =	ssyncset.done $0x0  }
0x32: {  	s7 =	simm.s32 $0x100;
	[sflag:s23] =	ssyncadd.s32 $0xFFFFC000  }
0x33: {  	[tilespmem:s19], [sflag:$0x1] =	stream.indirect.gather [hbm4b:s1+s18], $0x80, s7, s18, $0xb8;
	[tilespmem:$0x1E400] =	vst v63  }
0x34: {  	_ =	swait.ge [sflag:s24], $0x4000  }
0x35: {  	[sflag:s24] =	ssyncset.done $0x0  }
0x36: {  	s3 =	simm.s32 $0x400;
	s5 =	simm.s32 $0x180;
	[sflag:s24] =	ssyncadd.s32 $0xFFFFC000  }
.LBB2_2:
0x37: {  	[tilespmem:s20], [sflag:$0x2] =	stream.indirect.gather [hbm4b:s1+s18], $0x80, s5, s18, $0xb8;
	[tilespmem:$0x1E400] =	vst v63  }
0x38: {  	s5 =	smov.u32 s3  }
0x39: {  	p0 =	sne.s32 s3, $0x4400;
	s3 =	sadd.s32 $0x400, s3;
	_ =	swait.ge [sflag:s21], $0x4000  }
0x3a: {  	s5 =	sshra.s32 s5, $0x2;
	[sflag:s21] =	ssyncset.done $0x0  }
0x3b: {  	s7 =	sadd.s32 $0x1400, s5;
	[sflag:s21] =	ssyncadd.s32 $0xFFFFC000  }
0x3c: {  	[spmem:s2] =	stream.indirect.scatter.add.f32 [tilespmem:s19], [sflag:$0x3], $0x80, s7, s18, $0xb8;
	[tilespmem:$0x1E400] =	vst v63  }
0x3d: {  	_ =	swait.ge [sflag:s22], $0x4000  }
0x3e: {  	[sflag:s22] =	ssyncset.done $0x0  }
0x3f: {  	s7 =	sadd.s32 $0x1480, s5;
	[sflag:s22] =	ssyncadd.s32 $0xFFFFC000  }
0x40: {  	[spmem:s2] =	stream.indirect.scatter.add.f32 [tilespmem:s20], [sflag:$0x4], $0x80, s7, s18, $0xb8;
	[tilespmem:$0x1E400] =	vst v63  }
0x41: {  	_ =	swait.ge [sflag:s23], $0x4000  }
0x42: {  	[sflag:s23] =	ssyncset.done $0x0  }
.Ltmp0:
0x43: {  	s7 =	sadd.s32 $0x100, s5;
	[sflag:s23] =	ssyncadd.s32 $0xFFFFC000;
	(pc) =	sbr.rel @p0 .LBB2_2-.Ltmp0, $4  }
0x44: {  	[tilespmem:s19], [sflag:$0x1] =	stream.indirect.gather [hbm4b:s1+s18], $0x80, s7, s18, $0xb8;
	[tilespmem:$0x1E400] =	vst v63  }
0x45: {  	_ =	swait.ge [sflag:s24], $0x4000  }
0x46: {  	[sflag:s24] =	ssyncset.done $0x0  }
0x47: {  	s5 =	sadd.s32 $0x180, s5;
	[sflag:s24] =	ssyncadd.s32 $0xFFFFC000  }
0x48: {  	[tilespmem:s20], [sflag:$0x2] =	stream.indirect.gather [hbm4b:s1+s18], $0x80, s5, s18, $0xb8;
	[tilespmem:$0x1E400] =	vst v63  }
0x49: {  	_ =	swait.ge [sflag:s21], $0x4000  }
0x4a: {  	[sflag:s21] =	ssyncset.done $0x0  }
0x4b: {  	[sflag:s21] =	ssyncadd.s32 $0xFFFFC000  }
0x4c: {  	[spmem:s2] =	stream.indirect.scatter.add.f32 [tilespmem:s19], [sflag:$0x3], $0x80, s25, s18, $0xb8;
	[tilespmem:$0x1E400] =	vst v63  }
0x4d: {  	_ =	swait.ge [sflag:s22], $0x4000  }
0x4e: {  	[sflag:s22] =	ssyncset.done $0x0  }
0x4f: {  	[sflag:s22] =	ssyncadd.s32 $0xFFFFC000  }
0x50: {  	[spmem:s2] =	stream.indirect.scatter.add.f32 [tilespmem:s20], [sflag:$0x4], $0x80, s26, s18, $0xb8;
	[tilespmem:$0x1E400] =	vst v63  }
0x51: {  	_ =	swait.ge [sflag:s23], $0x4000  }
0x52: {  	[sflag:s23] =	ssyncset.done $0x0  }
0x53: {  	[sflag:s23] =	ssyncadd.s32 $0xFFFFC000  }
0x54: {  	[tilespmem:s19], [sflag:$0x1] =	stream.indirect.gather [hbm4b:s1+s18], $0x80, s28, s18, $0xb8;
	[tilespmem:$0x1E400] =	vst v63  }
0x55: {  	_ =	swait.ge [sflag:s24], $0x4000  }
0x56: {  	[sflag:s24] =	ssyncset.done $0x0  }
0x57: {  	[sflag:s24] =	ssyncadd.s32 $0xFFFFC000  }
0x58: {  	[tilespmem:s20], [sflag:$0x2] =	stream.indirect.gather [hbm4b:s1+s18], $0x80, s29, s18, $0xb8;
	[tilespmem:$0x1E400] =	vst v63  }
0x59: {  	_ =	swait.ge [sflag:s21], $0x4000  }
0x5a: {  	[sflag:s21] =	ssyncset.done $0x0  }
0x5b: {  	[sflag:s21] =	ssyncadd.s32 $0xFFFFC000  }
0x5c: {  	[spmem:s2] =	stream.indirect.scatter.add.f32 [tilespmem:s19], [sflag:$0x3], $0x80, s30, s18, $0xb8;
	[tilespmem:$0x1E400] =	vst v63  }
0x5d: {  	_ =	swait.ge [sflag:s22], $0x4000  }
0x5e: {  	[sflag:s22] =	ssyncset.done $0x0  }
0x5f: {  	[sflag:s22] =	ssyncadd.s32 $0xFFFFC000  }
0x60: {  	[spmem:s2] =	stream.indirect.scatter.add.f32 [tilespmem:s20], [sflag:$0x4], $0x80, s31, s18, $0xb8;
	[tilespmem:$0x1E400] =	vst v63  }
0x61: {  	_ =	swait.ge [sflag:s23], $0x4000  }
0x62: {  	[sflag:s23] =	ssyncset.done $0x0  }
0x63: {  	[sflag:s23] =	ssyncadd.s32 $0xFFFFC000  }
0x64: {  	[tilespmem:s19], [sflag:$0x1] =	stream.indirect.gather [hbm4b:s1+s18], $0x80, s29, s18, $0xb8;
	[tilespmem:$0x1E400] =	vst v63  }
0x65: {  	_ =	swait.ge [sflag:s24], $0x4000  }
0x66: {  	[sflag:s24] =	ssyncset.done $0x0  }
0x67: {  	[sflag:s24] =	ssyncadd.s32 $0xFFFFC000  }
0x68: {  	[tilespmem:s20], [sflag:$0x2] =	stream.indirect.gather [hbm4b:s1+s18], $0x80, s29, s18, $0xb8;
	[tilespmem:$0x1E400] =	vst v63  }
0x69: {  	_ =	swait.ge [sflag:s21], $0x4000  }
0x6a: {  	[sflag:s21] =	ssyncset.done $0x0  }
0x6b: {  	[sflag:s21] =	ssyncadd.s32 $0xFFFFC000  }
0x6c: {  	_ =	swait.ge [sflag:s22], $0x4000  }
0x6d: {  	[sflag:s22] =	ssyncset.done $0x0  }
0x6e: {  	s3 =	simm.s32 $0x0;
	[sflag:s22] =	ssyncadd.s32 $0xFFFFC000  }
0x6f: {  	[tilespmem:s3], [sflag:$0x6] =	stream.linear.gather [hbm4b:s10+s3], $0x1400, $0x38;
	[tilespmem:$0x1E400] =	vst v63  }
0x70: {  	_ =	swait.ge [sflag:s15], $0x1400  }
0x71: {  	[sflag:s15] =	ssyncset.done $0x0  }
0x72: {  	[sflag:s15] =	ssyncadd.s32 $0xFFFFEC00  }
0x73: {  	[tilespmem:s16], [sflag:$0x6] =	stream.linear.gather [hbm4b:s11+s3], $0x1400, $0x38;
	[tilespmem:$0x1E400] =	vst v63  }
0x74: {  	_ =	swait.ge [sflag:s15], $0x1400  }
0x75: {  	[sflag:s15] =	ssyncset.done $0x0  }
0x76: {  	[sflag:s15] =	ssyncadd.s32 $0xFFFFEC00  }
0x77: {  	[tilespmem:s19], [sflag:$0x1] =	stream.indirect.gather [hbm4b:s1+s18], $0x80, s3, s18, $0xb8;
	[tilespmem:$0x1E400] =	vst v63  }
0x78: {  	_ = 	snop  }
0x79: {  	[tilespmem:s20], [sflag:$0x2] =	stream.indirect.gather [hbm4b:s1+s18], $0x80, s18, s18, $0xb8;
	[tilespmem:$0x1E400] =	vst v63  }
0x7a: {  	_ =	swait.ge [sflag:s21], $0x4000  }
0x7b: {  	[sflag:s21] =	ssyncset.done $0x0  }
0x7c: {  	s7 =	simm.s32 $0x1400;
	[sflag:s21] =	ssyncadd.s32 $0xFFFFC000  }
0x7d: {  	[spmem:s2] =	stream.indirect.scatter.add.f32 [tilespmem:s19], [sflag:$0x3], $0x80, s7, s18, $0xb8;
	[tilespmem:$0x1E400] =	vst v63  }
0x7e: {  	_ =	swait.ge [sflag:s22], $0x4000  }
0x7f: {  	[sflag:s22] =	ssyncset.done $0x0  }
0x80: {  	s5 =	simm.s32 $0x1480;
	[sflag:s22] =	ssyncadd.s32 $0xFFFFC000  }
0x81: {  	[spmem:s2] =	stream.indirect.scatter.add.f32 [tilespmem:s20], [sflag:$0x4], $0x80, s5, s18, $0xb8;
	[tilespmem:$0x1E400] =	vst v63  }
0x82: {  	_ =	swait.ge [sflag:s23], $0x4000  }
0x83: {  	[sflag:s23] =	ssyncset.done $0x0  }
0x84: {  	s7 =	simm.s32 $0x100;
	[sflag:s23] =	ssyncadd.s32 $0xFFFFC000  }
0x85: {  	[tilespmem:s19], [sflag:$0x1] =	stream.indirect.gather [hbm4b:s1+s18], $0x80, s7, s18, $0xb8;
	[tilespmem:$0x1E400] =	vst v63  }
0x86: {  	_ =	swait.ge [sflag:s24], $0x4000  }
0x87: {  	[sflag:s24] =	ssyncset.done $0x0  }
0x88: {  	s3 =	simm.s32 $0x400;
	s5 =	simm.s32 $0x180;
	[sflag:s24] =	ssyncadd.s32 $0xFFFFC000  }
.LBB2_4:
0x89: {  	[tilespmem:s20], [sflag:$0x2] =	stream.indirect.gather [hbm4b:s1+s18], $0x80, s5, s18, $0xb8;
	[tilespmem:$0x1E400] =	vst v63  }
0x8a: {  	s5 =	smov.u32 s3  }
0x8b: {  	p0 =	sne.s32 s3, $0x4400;
	s3 =	sadd.s32 $0x400, s3;
	_ =	swait.ge [sflag:s21], $0x4000  }
0x8c: {  	s5 =	sshra.s32 s5, $0x2;
	[sflag:s21] =	ssyncset.done $0x0  }
0x8d: {  	s7 =	sadd.s32 $0x1400, s5;
	[sflag:s21] =	ssyncadd.s32 $0xFFFFC000  }
0x8e: {  	[spmem:s2] =	stream.indirect.scatter.add.f32 [tilespmem:s19], [sflag:$0x3], $0x80, s7, s18, $0xb8;
	[tilespmem:$0x1E400] =	vst v63  }
0x8f: {  	_ =	swait.ge [sflag:s22], $0x4000  }
0x90: {  	[sflag:s22] =	ssyncset.done $0x0  }
0x91: {  	s7 =	sadd.s32 $0x1480, s5;
	[sflag:s22] =	ssyncadd.s32 $0xFFFFC000  }
0x92: {  	[spmem:s2] =	stream.indirect.scatter.add.f32 [tilespmem:s20], [sflag:$0x4], $0x80, s7, s18, $0xb8;
	[tilespmem:$0x1E400] =	vst v63  }
0x93: {  	_ =	swait.ge [sflag:s23], $0x4000  }
0x94: {  	[sflag:s23] =	ssyncset.done $0x0  }
.Ltmp1:
0x95: {  	s7 =	sadd.s32 $0x100, s5;
	[sflag:s23] =	ssyncadd.s32 $0xFFFFC000;
	(pc) =	sbr.rel @p0 .LBB2_4-.Ltmp1, $4  }
0x96: {  	[tilespmem:s19], [sflag:$0x1] =	stream.indirect.gather [hbm4b:s1+s18], $0x80, s7, s18, $0xb8;
	[tilespmem:$0x1E400] =	vst v63  }
0x97: {  	_ =	swait.ge [sflag:s24], $0x4000  }
0x98: {  	[sflag:s24] =	ssyncset.done $0x0  }
0x99: {  	s5 =	sadd.s32 $0x180, s5;
	[sflag:s24] =	ssyncadd.s32 $0xFFFFC000  }
0x9a: {  	[tilespmem:s20], [sflag:$0x2] =	stream.indirect.gather [hbm4b:s1+s18], $0x80, s5, s18, $0xb8;
	[tilespmem:$0x1E400] =	vst v63  }
0x9b: {  	_ =	swait.ge [sflag:s21], $0x4000  }
0x9c: {  	[sflag:s21] =	ssyncset.done $0x0  }
0x9d: {  	[sflag:s21] =	ssyncadd.s32 $0xFFFFC000  }
0x9e: {  	[spmem:s2] =	stream.indirect.scatter.add.f32 [tilespmem:s19], [sflag:$0x3], $0x80, s25, s18, $0xb8;
	[tilespmem:$0x1E400] =	vst v63  }
0x9f: {  	_ =	swait.ge [sflag:s22], $0x4000  }
0xa0: {  	[sflag:s22] =	ssyncset.done $0x0  }
0xa1: {  	[sflag:s22] =	ssyncadd.s32 $0xFFFFC000  }
0xa2: {  	[spmem:s2] =	stream.indirect.scatter.add.f32 [tilespmem:s20], [sflag:$0x4], $0x80, s26, s18, $0xb8;
	[tilespmem:$0x1E400] =	vst v63  }
0xa3: {  	_ =	swait.ge [sflag:s23], $0x4000  }
0xa4: {  	[sflag:s23] =	ssyncset.done $0x0  }
0xa5: {  	[sflag:s23] =	ssyncadd.s32 $0xFFFFC000  }
0xa6: {  	[tilespmem:s19], [sflag:$0x1] =	stream.indirect.gather [hbm4b:s1+s18], $0x80, s28, s18, $0xb8;
	[tilespmem:$0x1E400] =	vst v63  }
0xa7: {  	_ =	swait.ge [sflag:s24], $0x4000  }
0xa8: {  	[sflag:s24] =	ssyncset.done $0x0  }
0xa9: {  	[sflag:s24] =	ssyncadd.s32 $0xFFFFC000  }
0xaa: {  	[tilespmem:s20], [sflag:$0x2] =	stream.indirect.gather [hbm4b:s1+s18], $0x80, s29, s18, $0xb8;
	[tilespmem:$0x1E400] =	vst v63  }
0xab: {  	_ =	swait.ge [sflag:s21], $0x4000  }
0xac: {  	[sflag:s21] =	ssyncset.done $0x0  }
0xad: {  	[sflag:s21] =	ssyncadd.s32 $0xFFFFC000  }
0xae: {  	[spmem:s2] =	stream.indirect.scatter.add.f32 [tilespmem:s19], [sflag:$0x3], $0x80, s30, s18, $0xb8;
	[tilespmem:$0x1E400] =	vst v63  }
0xaf: {  	_ =	swait.ge [sflag:s22], $0x4000  }
0xb0: {  	[sflag:s22] =	ssyncset.done $0x0  }
0xb1: {  	[sflag:s22] =	ssyncadd.s32 $0xFFFFC000  }
0xb2: {  	[spmem:s2] =	stream.indirect.scatter.add.f32 [tilespmem:s20], [sflag:$0x4], $0x80, s31, s18, $0xb8;
	[tilespmem:$0x1E400] =	vst v63  }
0xb3: {  	_ =	swait.ge [sflag:s23], $0x4000  }
0xb4: {  	[sflag:s23] =	ssyncset.done $0x0  }
0xb5: {  	[sflag:s23] =	ssyncadd.s32 $0xFFFFC000  }
0xb6: {  	[tilespmem:s19], [sflag:$0x1] =	stream.indirect.gather [hbm4b:s1+s18], $0x80, s29, s18, $0xb8;
	[tilespmem:$0x1E400] =	vst v63  }
0xb7: {  	_ =	swait.ge [sflag:s24], $0x4000  }
0xb8: {  	[sflag:s24] =	ssyncset.done $0x0  }
0xb9: {  	[sflag:s24] =	ssyncadd.s32 $0xFFFFC000  }
0xba: {  	[tilespmem:s20], [sflag:$0x2] =	stream.indirect.gather [hbm4b:s1+s18], $0x80, s29, s18, $0xb8;
	[tilespmem:$0x1E400] =	vst v63  }
0xbb: {  	_ =	swait.ge [sflag:s21], $0x4000  }
0xbc: {  	[sflag:s21] =	ssyncset.done $0x0  }
0xbd: {  	[sflag:s21] =	ssyncadd.s32 $0xFFFFC000  }
0xbe: {  	_ =	swait.ge [sflag:s22], $0x4000  }
0xbf: {  	s0 =	sadd.s32 $0x1, s0;
	[sflag:s22] =	ssyncset.done $0x0  }
0xc0: {  	p0 =	sne.s32 s0, s13;
	[sflag:s22] =	ssyncadd.s32 $0xFFFFC000  }
.Ltmp2:
0xc1: {  	s3 =	sor.u32 $0x1C06, s6;
	[bflag:$0x0] =	sbarrier.arrive $0xFFFF;
	(pc) =	sbr.rel @p0 .LBB2_1-.Ltmp2, $4  }
0xc2: {  	[hbm:s12], [sflag:s3] =	dma.local [spmem:s14], $0x2780  }
0xc3: {  	_ =	swait.ge [sflag:s15], $0x2780  }
0xc4: {  	[sflag:s15] =	ssyncset.done $0x0  }
0xc5: {  	[sflag:s15] =	ssyncadd.s32 $0xFFFFD880  }
0xc6: {  	_ =	sfence.sel $0x180000  }
0xc7: {  	[bflag:$0x0] =	sbarrier.arrive $0xFFFF  }
0xc8: {  	_ =	strace $0x90000047  }
0xc9: {  	s0 =	stileid.u32;
	[bflag:$0x2] =	sbarrier.arrive $0xFFFF  }
0xca: {  	p0 =	sne.s32 s0, $0x0;
	s0 =	rddreg [dreg:$0x4]  }
0xcb: {  	s0 =	sadd.s32 @!p0 $0x100000, s0  }
0xcc: {  	[sflag:s0] =	ssyncadd.tile.s32 @!p0 $0x1;
	_ =	shalt  }
.Lfunc_end2:
_tile_overlayer_lowered:
.L_overlay_start_2:
0xcd: {  	(tag) =	ssettag $0x2  }
0xce: {  	s0 =	rddreg [dreg:$0x0];
	s2 =	stileid.u32  }
0xcf: {  	s1 =	rddreg [dreg:$0x1];
	p0 =	sne.s32 s2, $0x0  }
0xd0: {  	s3 =	rddreg [dreg:$0x2];
	[bflag:$0x3] =	sbarrier.arrive $0xFFFF;
	s2 =	simm.s32 @!p0 $0x1C06  }
0xd1: {  	[timem:s3], [sflag:s2] =	dma.local @!p0 [hbm:s0], s1  }
0xd2: {  	s0 =	simm.s32 @!p0 $0x6  }
0xd3: {  	_ =	swait.ge @!p0 [sflag:s0], s1  }
0xd4: {  	s1 =	ssub.s32 @!p0 $0x0, s1;
	[sflag:s0] =	ssyncset.done @!p0 $0x0  }
0xd5: {  	[sflag:s0] =	ssyncadd.s32 @!p0 s1  }
0xd6: {  	[bflag:$0x3] =	sbarrier.arrive $0xFFFF  }
0xd7: {  	_ =	shalt  }

</sc_bundles>
